<compile_context>
chip_gen: v7x
topology: tpu7x:2x2x1
jax: 0.10.2.dev20260603
libtpu: 0.0.44.dev20260713+nightly
codegen_flags: <defaults>
</compile_context>

<pallas_src>
import functools

import jax
import jax.numpy as jnp
from jax import lax
from jax.experimental import pallas as pl
from jax.experimental.pallas import tpu as pltpu
from jax.experimental.pallas import tpu_sc as plsc

M = 1000000
D = 128
B = 16384
NC = 2
NS = 16
L = 16
NW = NC * NS
BPW = B // NW
CHUNKS = (128, 128, 128, 96, 32)
NG = len(CHUNKS)
RUNROLL = 1
PRELUDE = BPW + BPW + D + D
TD_OFF = BPW
W_OFF = 2 * BPW
B_OFF = 2 * BPW + D


def _make_sc_kernel():
    mesh = plsc.VectorSubcoreMesh(core_axis_name="c", subcore_axis_name="s")

    @functools.partial(
        pl.kernel,
        mesh=mesh,
        out_type=jax.ShapeDtypeStruct((B, D), jnp.float32),
        compiler_params=pltpu.CompilerParams(needs_layout_passes=False),
        scratch_types=[
            pltpu.VMEM((PRELUDE,), jnp.int32),
            pltpu.VMEM((BPW, D), jnp.float32),
            pltpu.SemaphoreType.DMA,
            pltpu.SemaphoreType.DMA,
            [pltpu.SemaphoreType.DMA] * NG,
            pltpu.SemaphoreType.DMA,
        ],
    )
    def sc_kernel(mem_hbm, pre_hbm, out_hbm,
                  pre_v, rows_v, sem_pre0, sem_pre1, sems_g, sem_out):
        wid = lax.axis_index("s") * NC + lax.axis_index("c")
        base = wid * BPW

        sz0 = CHUNKS[0]
        c_head = pltpu.async_copy(
            pre_hbm.at[wid, pl.ds(0, sz0)], pre_v.at[pl.ds(0, sz0)], sem_pre0)
        c_rest = pltpu.async_copy(
            pre_hbm.at[wid, pl.ds(sz0, PRELUDE - sz0)],
            pre_v.at[pl.ds(sz0, PRELUDE - sz0)], sem_pre1)

        c_head.wait()
        gathers = [pltpu.async_copy(
            mem_hbm.at[pre_v.at[pl.ds(0, sz0)]],
            rows_v.at[pl.ds(0, sz0)],
            sems_g[0],
        )]
        c_rest.wait()
        off = sz0
        for g, sz in enumerate(CHUNKS[1:], start=1):
            gathers.append(pltpu.async_copy(
                mem_hbm.at[pre_v.at[pl.ds(off, sz)]],
                rows_v.at[pl.ds(off, sz)],
                sems_g[g],
            ))
            off += sz

        w_chunks = [
            plsc.bitcast(pre_v[pl.ds(W_OFF + c * L, L)], jnp.float32)
            for c in range(D // L)
        ]
        b_chunks = [
            plsc.bitcast(pre_v[pl.ds(B_OFF + c * L, L)], jnp.float32) + 1.0
            for c in range(D // L)
        ]

        def scale_row(i):
            tdv = plsc.bitcast(
                plsc.load_gather(pre_v, [jnp.full((L,), TD_OFF + i, jnp.int32)]),
                jnp.float32)
            row = [rows_v[i, pl.ds(c * L, L)] for c in range(D // L)]
            out = [row[c] * (tdv * w_chunks[c] + b_chunks[c])
                   for c in range(D // L)]
            for c in range(D // L):
                rows_v[i, pl.ds(c * L, L)] = out[c]

        stores = []
        off = 0
        for g, sz in enumerate(CHUNKS):
            gathers[g].wait()
            chunk_off = off

            def row_body(k, carry, chunk_off=chunk_off):
                i = chunk_off + k * RUNROLL
                for r in range(RUNROLL):
                    scale_row(i + r)
                return carry

            lax.fori_loop(0, sz // RUNROLL, row_body, 0)

            stores.append(pltpu.async_copy(
                rows_v.at[pl.ds(off, sz)],
                out_hbm.at[pl.ds(base + off, sz)],
                sem_out,
            ))
            off += sz
        for s in stores:
            s.wait()

    return sc_kernel


_sc_kernel = _make_sc_kernel()


def kernel(memory, source_nodes, timestamps, time_diffs, W, b):
    del timestamps
    idx = source_nodes.astype(jnp.int32).reshape(NW, BPW)
    td = time_diffs.astype(jnp.float32).reshape(NW, BPW)
    wb = jnp.concatenate([W.reshape(D), b]).astype(jnp.float32)
    wb32 = jnp.broadcast_to(wb[None, :], (NW, 2 * D))
    pre = jnp.concatenate(
        [idx, jax.lax.bitcast_convert_type(td, jnp.int32),
         jax.lax.bitcast_convert_type(wb32, jnp.int32)], axis=1)
    return _sc_kernel(memory, pre)

# --- scband reference (transcript-rebuilt; emitter-appended) ---
"""Pipeline reference for scband-time-embedding-9423158247655 (READ-ONLY COPY).

The authoritative reference and input builder live on the scoring server;
editing this copy changes nothing except your own understanding.
"""

import jax, jax.numpy as jnp
import numpy as np

M = 1000000
D = 128
B = 16384

def setup_inputs(seed: int = 0) -> dict:
    key = jax.random.key(seed)
    k1, k2, k3, k4, k5, k6 = jax.random.split(key, 6)
    memory = jax.random.normal(k1, (M, D), dtype=jnp.float32)
    source_nodes = jax.random.randint(k2, (B,), 0, M, dtype=jnp.int64)
    timestamps = jax.random.uniform(k3, (B,), dtype=jnp.float32)
    time_diffs = jax.random.normal(k4, (B,), dtype=jnp.float32)
    # NormalLinear(1, D): weight [D, 1], bias [D], init N(0, 1/sqrt(in_features)=1)
    W = jax.random.normal(k5, (D, 1), dtype=jnp.float32) * 1.0
    b = jax.random.normal(k6, (D,), dtype=jnp.float32) * 1.0
    return {"memory": memory, "source_nodes": source_nodes, "timestamps": timestamps, "time_diffs": time_diffs, "W": W, "b": b}

def reference(memory, source_nodes, timestamps, time_diffs, W, b):
    # embedding_layer(time_diffs.unsqueeze(1)) -> [B, D]
    proj = time_diffs[:, None] @ W.T + b
    # memory[source_nodes, :] * (1 + proj)
    gathered = jnp.take(memory, source_nodes, axis=0)
    source_embeddings = gathered * (1.0 + proj)
    return source_embeddings

if __name__ == "__main__":
    import jax
    _d = setup_inputs()
    print(jax.jit(kernel)(*tuple(_d.values())))

</pallas_src>

<mosaic_0001>
#map = affine_map<(d0, d1) -> (0, 0)>
module attributes {stable_mosaic.version = 14 : i64} {
  func.func @sc_kernel(%arg0: i32, %arg1: i32, %arg2: memref<1000000x128xf32, #tpu.memory_space<hbm>>, %arg3: memref<32x1280xi32, #tpu.memory_space<hbm>>, %arg4: memref<16384x128xf32, #tpu.memory_space<hbm>>, %arg5: memref<1280xi32, #tpu.memory_space<vmem>>, %arg6: memref<512x128xf32, #tpu.memory_space<vmem>>, %arg7: memref<!tpu.dma_semaphore, #tpu.memory_space<semaphore_mem>>, %arg8: memref<!tpu.dma_semaphore, #tpu.memory_space<semaphore_mem>>, %arg9: memref<!tpu.dma_semaphore, #tpu.memory_space<semaphore_mem>>, %arg10: memref<!tpu.dma_semaphore, #tpu.memory_space<semaphore_mem>>, %arg11: memref<!tpu.dma_semaphore, #tpu.memory_space<semaphore_mem>>, %arg12: memref<!tpu.dma_semaphore, #tpu.memory_space<semaphore_mem>>, %arg13: memref<!tpu.dma_semaphore, #tpu.memory_space<semaphore_mem>>, %arg14: memref<!tpu.dma_semaphore, #tpu.memory_space<semaphore_mem>>) attributes {dimension_semantics = [#tpu.dimension_semantics<core_parallel>, #tpu.dimension_semantics<subcore_parallel>], iteration_bounds = array<i64: 2, 16>, scalar_prefetch = 0 : i64, scratch_operands = 10 : i64, tpu.core_type = #tpu.core_type<sc_vector_subcore>, window_params = [{transform_indices = #map}, {transform_indices = #map}, {transform_indices = #map}]} {
    %mul3A = arith.constant 2 : i32
    %mul3A_0 = arith.muli %arg1, %mul3A : i32
    %add3A = arith.addi %mul3A_0, %arg0 : i32
    %mul3A_1 = arith.constant 512 : i32
    %mul3A_2 = arith.muli %add3A, %mul3A_1 : i32
    %dma_start3A = arith.constant 0 : i32
    %dma_start3A_3 = tpu.memref_slice %arg5[%dma_start3A] : memref<1280xi32, #tpu.memory_space<vmem>> -> memref<128xi32, #tpu.memory_space<vmem>>
    %dma_start3A_4 = arith.constant 0 : i32
    %dma_start3A_5 = tpu.memref_slice %arg3[%add3A, %dma_start3A_4] : memref<32x1280xi32, #tpu.memory_space<hbm>> -> memref<1x128xi32, #tpu.memory_space<hbm>>
    %dma_start3A_6 = tpu.memref_squeeze %dma_start3A_5 : memref<1x128xi32, #tpu.memory_space<hbm>> -> memref<128xi32, #tpu.memory_space<hbm>>
    %dma_start3A_7 = arith.constant 0 : i32
    %dma_start3A_8 = tpu.memref_slice %arg5[%dma_start3A_7] : memref<1280xi32, #tpu.memory_space<vmem>> -> memref<128xi32, #tpu.memory_space<vmem>>
    %dma_start3A_9 = arith.constant 0 : i32
    %dma_start3A_10 = tpu.memref_slice %arg3[%add3A, %dma_start3A_9] : memref<32x1280xi32, #tpu.memory_space<hbm>> -> memref<1x128xi32, #tpu.memory_space<hbm>>
    %dma_start3A_11 = tpu.memref_squeeze %dma_start3A_10 : memref<1x128xi32, #tpu.memory_space<hbm>> -> memref<128xi32, #tpu.memory_space<hbm>>
    tpu.enqueue_dma source(%dma_start3A_11 : memref<128xi32, #tpu.memory_space<hbm>>) target(%dma_start3A_8 : memref<128xi32, #tpu.memory_space<vmem>>) target_semaphore(%arg7 : memref<!tpu.dma_semaphore, #tpu.memory_space<semaphore_mem>>)
    %dma_start3A_12 = arith.constant 128 : i32
    %dma_start3A_13 = tpu.memref_slice %arg5[%dma_start3A_12] : memref<1280xi32, #tpu.memory_space<vmem>> -> memref<1152xi32, #tpu.memory_space<vmem>>
    %dma_start3A_14 = arith.constant 128 : i32
    %dma_start3A_15 = tpu.memref_slice %arg3[%add3A, %dma_start3A_14] : memref<32x1280xi32, #tpu.memory_space<hbm>> -> memref<1x1152xi32, #tpu.memory_space<hbm>>
    %dma_start3A_16 = tpu.memref_squeeze %dma_start3A_15 : memref<1x1152xi32, #tpu.memory_space<hbm>> -> memref<1152xi32, #tpu.memory_space<hbm>>
    %dma_start3A_17 = arith.constant 128 : i32
    %dma_start3A_18 = tpu.memref_slice %arg5[%dma_start3A_17] : memref<1280xi32, #tpu.memory_space<vmem>> -> memref<1152xi32, #tpu.memory_space<vmem>>
    %dma_start3A_19 = arith.constant 128 : i32
    %dma_start3A_20 = tpu.memref_slice %arg3[%add3A, %dma_start3A_19] : memref<32x1280xi32, #tpu.memory_space<hbm>> -> memref<1x1152xi32, #tpu.memory_space<hbm>>
    %dma_start3A_21 = tpu.memref_squeeze %dma_start3A_20 : memref<1x1152xi32, #tpu.memory_space<hbm>> -> memref<1152xi32, #tpu.memory_space<hbm>>
    tpu.enqueue_dma source(%dma_start3A_21 : memref<1152xi32, #tpu.memory_space<hbm>>) target(%dma_start3A_18 : memref<1152xi32, #tpu.memory_space<vmem>>) target_semaphore(%arg8 : memref<!tpu.dma_semaphore, #tpu.memory_space<semaphore_mem>>)
    %dma_wait3A = arith.constant 0 : i32
    %dma_wait3A_22 = tpu.memref_slice %arg5[%dma_wait3A] : memref<1280xi32, #tpu.memory_space<vmem>> -> memref<128xi32, #tpu.memory_space<vmem>>
    %dma_wait3A_23 = arith.constant 0 : i32
    %dma_wait3A_24 = tpu.memref_slice %arg3[%add3A, %dma_wait3A_23] : memref<32x1280xi32, #tpu.memory_space<hbm>> -> memref<1x128xi32, #tpu.memory_space<hbm>>
    %dma_wait3A_25 = tpu.memref_squeeze %dma_wait3A_24 : memref<1x128xi32, #tpu.memory_space<hbm>> -> memref<128xi32, #tpu.memory_space<hbm>>
    %dma_wait3A_26 = arith.constant 0 : i32
    %dma_wait3A_27 = tpu.memref_slice %arg5[%dma_wait3A_26] : memref<1280xi32, #tpu.memory_space<vmem>> -> memref<128xi32, #tpu.memory_space<vmem>>
    %dma_wait3A_28 = arith.constant 0 : i32
    %dma_wait3A_29 = tpu.memref_slice %arg3[%add3A, %dma_wait3A_28] : memref<32x1280xi32, #tpu.memory_space<hbm>> -> memref<1x128xi32, #tpu.memory_space<hbm>>
    %dma_wait3A_30 = tpu.memref_squeeze %dma_wait3A_29 : memref<1x128xi32, #tpu.memory_space<hbm>> -> memref<128xi32, #tpu.memory_space<hbm>>
    tpu.wait_dma2 semaphore(%arg7 : memref<!tpu.dma_semaphore, #tpu.memory_space<semaphore_mem>>) src(%dma_wait3A_30 : memref<128xi32, #tpu.memory_space<hbm>>) dst(%dma_wait3A_27 : memref<128xi32, #tpu.memory_space<vmem>>)
    %dma_start3A_31 = arith.constant 0 : i32
    %dma_start3A_32 = arith.constant 0 : i32
    %dma_start3A_33 = tpu.memref_slice %arg6[%dma_start3A_31, %dma_start3A_32] : memref<512x128xf32, #tpu.memory_space<vmem>> -> memref<128x128xf32, #tpu.memory_space<vmem>>
    %dma_start3A_34 = arith.constant 0 : i32
    %dma_start3A_35 = tpu.memref_slice %arg5[%dma_start3A_34] : memref<1280xi32, #tpu.memory_space<vmem>> -> memref<128xi32, #tpu.memory_space<vmem>>
    %dma_start3A_36 = arith.constant 0 : i32
    %dma_start3A_37 = arith.constant 0 : i32
    %dma_start3A_38 = tpu.memref_slice %arg2[%dma_start3A_36, %dma_start3A_37] : memref<1000000x128xf32, #tpu.memory_space<hbm>> -> memref<1000000x128xf32, #tpu.memory_space<hbm>>
    tpu.enqueue_indirect_dma source(%dma_start3A_38 : memref<1000000x128xf32, #tpu.memory_space<hbm>>) target(%dma_start3A_33 : memref<128x128xf32, #tpu.memory_space<vmem>>) offsets(%dma_start3A_35 : memref<128xi32, #tpu.memory_space<vmem>>) semaphore(%arg9 : memref<!tpu.dma_semaphore, #tpu.memory_space<semaphore_mem>>)
    %dma_wait3A_39 = arith.constant 128 : i32
    %dma_wait3A_40 = tpu.memref_slice %arg5[%dma_wait3A_39] : memref<1280xi32, #tpu.memory_space<vmem>> -> memref<1152xi32, #tpu.memory_space<vmem>>
    %dma_wait3A_41 = arith.constant 128 : i32
    %dma_wait3A_42 = tpu.memref_slice %arg3[%add3A, %dma_wait3A_41] : memref<32x1280xi32, #tpu.memory_space<hbm>> -> memref<1x1152xi32, #tpu.memory_space<hbm>>
    %dma_wait3A_43 = tpu.memref_squeeze %dma_wait3A_42 : memref<1x1152xi32, #tpu.memory_space<hbm>> -> memref<1152xi32, #tpu.memory_space<hbm>>
    %dma_wait3A_44 = arith.constant 128 : i32
    %dma_wait3A_45 = tpu.memref_slice %arg5[%dma_wait3A_44] : memref<1280xi32, #tpu.memory_space<vmem>> -> memref<1152xi32, #tpu.memory_space<vmem>>
    %dma_wait3A_46 = arith.constant 128 : i32
    %dma_wait3A_47 = tpu.memref_slice %arg3[%add3A, %dma_wait3A_46] : memref<32x1280xi32, #tpu.memory_space<hbm>> -> memref<1x1152xi32, #tpu.memory_space<hbm>>
    %dma_wait3A_48 = tpu.memref_squeeze %dma_wait3A_47 : memref<1x1152xi32, #tpu.memory_space<hbm>> -> memref<1152xi32, #tpu.memory_space<hbm>>
    tpu.wait_dma2 semaphore(%arg8 : memref<!tpu.dma_semaphore, #tpu.memory_space<semaphore_mem>>) src(%dma_wait3A_48 : memref<1152xi32, #tpu.memory_space<hbm>>) dst(%dma_wait3A_45 : memref<1152xi32, #tpu.memory_space<vmem>>)
    %dma_start3A_49 = arith.constant 128 : i32
    %dma_start3A_50 = arith.constant 0 : i32
    %dma_start3A_51 = tpu.memref_slice %arg6[%dma_start3A_49, %dma_start3A_50] : memref<512x128xf32, #tpu.memory_space<vmem>> -> memref<128x128xf32, #tpu.memory_space<vmem>>
    %dma_start3A_52 = arith.constant 128 : i32
    %dma_start3A_53 = tpu.memref_slice %arg5[%dma_start3A_52] : memref<1280xi32, #tpu.memory_space<vmem>> -> memref<128xi32, #tpu.memory_space<vmem>>
    %dma_start3A_54 = arith.constant 0 : i32
    %dma_start3A_55 = arith.constant 0 : i32
    %dma_start3A_56 = tpu.memref_slice %arg2[%dma_start3A_54, %dma_start3A_55] : memref<1000000x128xf32, #tpu.memory_space<hbm>> -> memref<1000000x128xf32, #tpu.memory_space<hbm>>
    tpu.enqueue_indirect_dma source(%dma_start3A_56 : memref<1000000x128xf32, #tpu.memory_space<hbm>>) target(%dma_start3A_51 : memref<128x128xf32, #tpu.memory_space<vmem>>) offsets(%dma_start3A_53 : memref<128xi32, #tpu.memory_space<vmem>>) semaphore(%arg10 : memref<!tpu.dma_semaphore, #tpu.memory_space<semaphore_mem>>)
    %dma_start3A_57 = arith.constant 256 : i32
    %dma_start3A_58 = arith.constant 0 : i32
    %dma_start3A_59 = tpu.memref_slice %arg6[%dma_start3A_57, %dma_start3A_58] : memref<512x128xf32, #tpu.memory_space<vmem>> -> memref<128x128xf32, #tpu.memory_space<vmem>>
    %dma_start3A_60 = arith.constant 256 : i32
    %dma_start3A_61 = tpu.memref_slice %arg5[%dma_start3A_60] : memref<1280xi32, #tpu.memory_space<vmem>> -> memref<128xi32, #tpu.memory_space<vmem>>
    %dma_start3A_62 = arith.constant 0 : i32
    %dma_start3A_63 = arith.constant 0 : i32
    %dma_start3A_64 = tpu.memref_slice %arg2[%dma_start3A_62, %dma_start3A_63] : memref<1000000x128xf32, #tpu.memory_space<hbm>> -> memref<1000000x128xf32, #tpu.memory_space<hbm>>
    tpu.enqueue_indirect_dma source(%dma_start3A_64 : memref<1000000x128xf32, #tpu.memory_space<hbm>>) target(%dma_start3A_59 : memref<128x128xf32, #tpu.memory_space<vmem>>) offsets(%dma_start3A_61 : memref<128xi32, #tpu.memory_space<vmem>>) semaphore(%arg11 : memref<!tpu.dma_semaphore, #tpu.memory_space<semaphore_mem>>)
    %dma_start3A_65 = arith.constant 384 : i32
    %dma_start3A_66 = arith.constant 0 : i32
    %dma_start3A_67 = tpu.memref_slice %arg6[%dma_start3A_65, %dma_start3A_66] : memref<512x128xf32, #tpu.memory_space<vmem>> -> memref<96x128xf32, #tpu.memory_space<vmem>>
    %dma_start3A_68 = arith.constant 384 : i32
    %dma_start3A_69 = tpu.memref_slice %arg5[%dma_start3A_68] : memref<1280xi32, #tpu.memory_space<vmem>> -> memref<96xi32, #tpu.memory_space<vmem>>
    %dma_start3A_70 = arith.constant 0 : i32
    %dma_start3A_71 = arith.constant 0 : i32
    %dma_start3A_72 = tpu.memref_slice %arg2[%dma_start3A_70, %dma_start3A_71] : memref<1000000x128xf32, #tpu.memory_space<hbm>> -> memref<1000000x128xf32, #tpu.memory_space<hbm>>
    tpu.enqueue_indirect_dma source(%dma_start3A_72 : memref<1000000x128xf32, #tpu.memory_space<hbm>>) target(%dma_start3A_67 : memref<96x128xf32, #tpu.memory_space<vmem>>) offsets(%dma_start3A_69 : memref<96xi32, #tpu.memory_space<vmem>>) semaphore(%arg12 : memref<!tpu.dma_semaphore, #tpu.memory_space<semaphore_mem>>)
    %dma_start3A_73 = arith.constant 480 : i32
    %dma_start3A_74 = arith.constant 0 : i32
    %dma_start3A_75 = tpu.memref_slice %arg6[%dma_start3A_73, %dma_start3A_74] : memref<512x128xf32, #tpu.memory_space<vmem>> -> memref<32x128xf32, #tpu.memory_space<vmem>>
    %dma_start3A_76 = arith.constant 480 : i32
    %dma_start3A_77 = tpu.memref_slice %arg5[%dma_start3A_76] : memref<1280xi32, #tpu.memory_space<vmem>> -> memref<32xi32, #tpu.memory_space<vmem>>
    %dma_start3A_78 = arith.constant 0 : i32
    %dma_start3A_79 = arith.constant 0 : i32
    %dma_start3A_80 = tpu.memref_slice %arg2[%dma_start3A_78, %dma_start3A_79] : memref<1000000x128xf32, #tpu.memory_space<hbm>> -> memref<1000000x128xf32, #tpu.memory_space<hbm>>
    tpu.enqueue_indirect_dma source(%dma_start3A_80 : memref<1000000x128xf32, #tpu.memory_space<hbm>>) target(%dma_start3A_75 : memref<32x128xf32, #tpu.memory_space<vmem>>) offsets(%dma_start3A_77 : memref<32xi32, #tpu.memory_space<vmem>>) semaphore(%arg13 : memref<!tpu.dma_semaphore, #tpu.memory_space<semaphore_mem>>)
    %get3A = arith.constant 1024 : index
    %get3A_81 = tpu.vector_load %arg5[%get3A] {strides = array<i32>} : memref<1280xi32, #tpu.memory_space<vmem>>, vector<16xi32>,
    %bitcast3A = vector.bitcast %get3A_81 : vector<16xi32> to vector<16xf32>
    %get3A_82 = arith.constant 1040 : index
    %get3A_83 = tpu.vector_load %arg5[%get3A_82] {strides = array<i32>} : memref<1280xi32, #tpu.memory_space<vmem>>, vector<16xi32>,
    %bitcast3A_84 = vector.bitcast %get3A_83 : vector<16xi32> to vector<16xf32>
    %get3A_85 = arith.constant 1056 : index
    %get3A_86 = tpu.vector_load %arg5[%get3A_85] {strides = array<i32>} : memref<1280xi32, #tpu.memory_space<vmem>>, vector<16xi32>,
    %bitcast3A_87 = vector.bitcast %get3A_86 : vector<16xi32> to vector<16xf32>
    %get3A_88 = arith.constant 1072 : index
    %get3A_89 = tpu.vector_load %arg5[%get3A_88] {strides = array<i32>} : memref<1280xi32, #tpu.memory_space<vmem>>, vector<16xi32>,
    %bitcast3A_90 = vector.bitcast %get3A_89 : vector<16xi32> to vector<16xf32>
    %get3A_91 = arith.constant 1088 : index
    %get3A_92 = tpu.vector_load %arg5[%get3A_91] {strides = array<i32>} : memref<1280xi32, #tpu.memory_space<vmem>>, vector<16xi32>,
    %bitcast3A_93 = vector.bitcast %get3A_92 : vector<16xi32> to vector<16xf32>
    %get3A_94 = arith.constant 1104 : index
    %get3A_95 = tpu.vector_load %arg5[%get3A_94] {strides = array<i32>} : memref<1280xi32, #tpu.memory_space<vmem>>, vector<16xi32>,
    %bitcast3A_96 = vector.bitcast %get3A_95 : vector<16xi32> to vector<16xf32>
    %get3A_97 = arith.constant 1120 : index
    %get3A_98 = tpu.vector_load %arg5[%get3A_97] {strides = array<i32>} : memref<1280xi32, #tpu.memory_space<vmem>>, vector<16xi32>,
    %bitcast3A_99 = vector.bitcast %get3A_98 : vector<16xi32> to vector<16xf32>
    %get3A_100 = arith.constant 1136 : index
    %get3A_101 = tpu.vector_load %arg5[%get3A_100] {strides = array<i32>} : memref<1280xi32, #tpu.memory_space<vmem>>, vector<16xi32>,
    %bitcast3A_102 = vector.bitcast %get3A_101 : vector<16xi32> to vector<16xf32>
    %get3A_103 = arith.constant 1152 : index
    %get3A_104 = tpu.vector_load %arg5[%get3A_103] {strides = array<i32>} : memref<1280xi32, #tpu.memory_space<vmem>>, vector<16xi32>,
    %bitcast3A_105 = vector.bitcast %get3A_104 : vector<16xi32> to vector<16xf32>
    %add3A_106 = arith.constant 1.000000e+00 : f32
    %add3A_107 = vector.broadcast %add3A_106 : f32 to vector<16xf32>
    %add3A_108 = arith.addf %bitcast3A_105, %add3A_107 : vector<16xf32>
    %get3A_109 = arith.constant 1168 : index
    %get3A_110 = tpu.vector_load %arg5[%get3A_109] {strides = array<i32>} : memref<1280xi32, #tpu.memory_space<vmem>>, vector<16xi32>,
    %bitcast3A_111 = vector.bitcast %get3A_110 : vector<16xi32> to vector<16xf32>
    %add3A_112 = arith.constant 1.000000e+00 : f32
    %add3A_113 = vector.broadcast %add3A_112 : f32 to vector<16xf32>
    %add3A_114 = arith.addf %bitcast3A_111, %add3A_113 : vector<16xf32>
    %get3A_115 = arith.constant 1184 : index
    %get3A_116 = tpu.vector_load %arg5[%get3A_115] {strides = array<i32>} : memref<1280xi32, #tpu.memory_space<vmem>>, vector<16xi32>,
    %bitcast3A_117 = vector.bitcast %get3A_116 : vector<16xi32> to vector<16xf32>
    %add3A_118 = arith.constant 1.000000e+00 : f32
    %add3A_119 = vector.broadcast %add3A_118 : f32 to vector<16xf32>
    %add3A_120 = arith.addf %bitcast3A_117, %add3A_119 : vector<16xf32>
    %get3A_121 = arith.constant 1200 : index
    %get3A_122 = tpu.vector_load %arg5[%get3A_121] {strides = array<i32>} : memref<1280xi32, #tpu.memory_space<vmem>>, vector<16xi32>,
    %bitcast3A_123 = vector.bitcast %get3A_122 : vector<16xi32> to vector<16xf32>
    %add3A_124 = arith.constant 1.000000e+00 : f32
    %add3A_125 = vector.broadcast %add3A_124 : f32 to vector<16xf32>
    %add3A_126 = arith.addf %bitcast3A_123, %add3A_125 : vector<16xf32>
    %get3A_127 = arith.constant 1216 : index
    %get3A_128 = tpu.vector_load %arg5[%get3A_127] {strides = array<i32>} : memref<1280xi32, #tpu.memory_space<vmem>>, vector<16xi32>,
    %bitcast3A_129 = vector.bitcast %get3A_128 : vector<16xi32> to vector<16xf32>
    %add3A_130 = arith.constant 1.000000e+00 : f32
    %add3A_131 = vector.broadcast %add3A_130 : f32 to vector<16xf32>
    %add3A_132 = arith.addf %bitcast3A_129, %add3A_131 : vector<16xf32>
    %get3A_133 = arith.constant 1232 : index
    %get3A_134 = tpu.vector_load %arg5[%get3A_133] {strides = array<i32>} : memref<1280xi32, #tpu.memory_space<vmem>>, vector<16xi32>,
    %bitcast3A_135 = vector.bitcast %get3A_134 : vector<16xi32> to vector<16xf32>
    %add3A_136 = arith.constant 1.000000e+00 : f32
    %add3A_137 = vector.broadcast %add3A_136 : f32 to vector<16xf32>
    %add3A_138 = arith.addf %bitcast3A_135, %add3A_137 : vector<16xf32>
    %get3A_139 = arith.constant 1248 : index
    %get3A_140 = tpu.vector_load %arg5[%get3A_139] {strides = array<i32>} : memref<1280xi32, #tpu.memory_space<vmem>>, vector<16xi32>,
    %bitcast3A_141 = vector.bitcast %get3A_140 : vector<16xi32> to vector<16xf32>
    %add3A_142 = arith.constant 1.000000e+00 : f32
    %add3A_143 = vector.broadcast %add3A_142 : f32 to vector<16xf32>
    %add3A_144 = arith.addf %bitcast3A_141, %add3A_143 : vector<16xf32>
    %get3A_145 = arith.constant 1264 : index
    %get3A_146 = tpu.vector_load %arg5[%get3A_145] {strides = array<i32>} : memref<1280xi32, #tpu.memory_space<vmem>>, vector<16xi32>,
    %bitcast3A_147 = vector.bitcast %get3A_146 : vector<16xi32> to vector<16xf32>
    %add3A_148 = arith.constant 1.000000e+00 : f32
    %add3A_149 = vector.broadcast %add3A_148 : f32 to vector<16xf32>
    %add3A_150 = arith.addf %bitcast3A_147, %add3A_149 : vector<16xf32>
    %dma_wait3A_151 = arith.constant 0 : i32
    %dma_wait3A_152 = arith.constant 0 : i32
    %dma_wait3A_153 = tpu.memref_slice %arg6[%dma_wait3A_151, %dma_wait3A_152] : memref<512x128xf32, #tpu.memory_space<vmem>> -> memref<128x128xf32, #tpu.memory_space<vmem>>
    %dma_wait3A_154 = arith.constant 0 : i32
    %dma_wait3A_155 = tpu.memref_slice %arg5[%dma_wait3A_154] : memref<1280xi32, #tpu.memory_space<vmem>> -> memref<128xi32, #tpu.memory_space<vmem>>
    %dma_wait3A_156 = arith.constant 0 : i32
    %dma_wait3A_157 = arith.constant 0 : i32
    %dma_wait3A_158 = tpu.memref_slice %arg2[%dma_wait3A_156, %dma_wait3A_157] : memref<1000000x128xf32, #tpu.memory_space<hbm>> -> memref<1000000x128xf32, #tpu.memory_space<hbm>>
    tpu.wait_indirect_dma semaphore(%arg9 : memref<!tpu.dma_semaphore, #tpu.memory_space<semaphore_mem>>) src(%dma_wait3A_158 : memref<1000000x128xf32, #tpu.memory_space<hbm>>) dst(%dma_wait3A_153 : memref<128x128xf32, #tpu.memory_space<vmem>>)
    %scan3A = arith.constant 0 : i32
    %scan3A_159 = arith.constant 0 : i32
    %scan3A_160 = arith.constant 128 : i32
    %scan3A_161 = arith.addi %scan3A_159, %scan3A_160 : i32
    %scan3A_162 = arith.constant 1 : i32
    scf.for %scan3A_330 = %scan3A_159 to %scan3A_161 step %scan3A_162  : i32 {
      %mul3A_331 = arith.constant 1 : i32
      %mul3A_332 = arith.muli %scan3A_330, %mul3A_331 : i32
      %add3A_333 = arith.constant 0 : i32
      %add3A_334 = arith.addi %add3A_333, %mul3A_332 : i32
      %add3A_335 = arith.constant 0 : i32
      %add3A_336 = arith.addi %add3A_334, %add3A_335 : i32
      %add3A_337 = arith.constant 512 : i32
      %add3A_338 = arith.addi %add3A_337, %add3A_336 : i32
      %broadcast_in_dim3A = vector.broadcast %add3A_338 : i32 to vector<16xi32>
      %gather3A = tpu.vector_load_idx %arg5[%broadcast_in_dim3A] : memref<1280xi32, #tpu.memory_space<vmem>>[vector<16xi32>], vector<16xi32>,
      %bitcast3A_339 = vector.bitcast %gather3A : vector<16xi32> to vector<16xf32>
      %get3A_340 = arith.index_cast %add3A_336 : i32 to index
      %get3A_341 = arith.constant 0 : index
      %get3A_342 = tpu.vector_load %arg6[%get3A_340, %get3A_341] {strides = array<i32>} : memref<512x128xf32, #tpu.memory_space<vmem>>, vector<16xf32>,
      %get3A_343 = arith.index_cast %add3A_336 : i32 to index
      %get3A_344 = arith.constant 16 : index
      %get3A_345 = tpu.vector_load %arg6[%get3A_343, %get3A_344] {strides = array<i32>} : memref<512x128xf32, #tpu.memory_space<vmem>>, vector<16xf32>,
      %get3A_346 = arith.index_cast %add3A_336 : i32 to index
      %get3A_347 = arith.constant 32 : index
      %get3A_348 = tpu.vector_load %arg6[%get3A_346, %get3A_347] {strides = array<i32>} : memref<512x128xf32, #tpu.memory_space<vmem>>, vector<16xf32>,
      %get3A_349 = arith.index_cast %add3A_336 : i32 to index
      %get3A_350 = arith.constant 48 : index
      %get3A_351 = tpu.vector_load %arg6[%get3A_349, %get3A_350] {strides = array<i32>} : memref<512x128xf32, #tpu.memory_space<vmem>>, vector<16xf32>,
      %get3A_352 = arith.index_cast %add3A_336 : i32 to index
      %get3A_353 = arith.constant 64 : index
      %get3A_354 = tpu.vector_load %arg6[%get3A_352, %get3A_353] {strides = array<i32>} : memref<512x128xf32, #tpu.memory_space<vmem>>, vector<16xf32>,
      %get3A_355 = arith.index_cast %add3A_336 : i32 to index
      %get3A_356 = arith.constant 80 : index
      %get3A_357 = tpu.vector_load %arg6[%get3A_355, %get3A_356] {strides = array<i32>} : memref<512x128xf32, #tpu.memory_space<vmem>>, vector<16xf32>,
      %get3A_358 = arith.index_cast %add3A_336 : i32 to index
      %get3A_359 = arith.constant 96 : index
      %get3A_360 = tpu.vector_load %arg6[%get3A_358, %get3A_359] {strides = array<i32>} : memref<512x128xf32, #tpu.memory_space<vmem>>, vector<16xf32>,
      %get3A_361 = arith.index_cast %add3A_336 : i32 to index
      %get3A_362 = arith.constant 112 : index
      %get3A_363 = tpu.vector_load %arg6[%get3A_361, %get3A_362] {strides = array<i32>} : memref<512x128xf32, #tpu.memory_space<vmem>>, vector<16xf32>,
      %mul3A_364 = arith.mulf %bitcast3A_339, %bitcast3A : vector<16xf32>
      %add3A_365 = arith.addf %mul3A_364, %add3A_108 : vector<16xf32>
      %mul3A_366 = arith.mulf %get3A_342, %add3A_365 : vector<16xf32>
      %mul3A_367 = arith.mulf %bitcast3A_339, %bitcast3A_84 : vector<16xf32>
      %add3A_368 = arith.addf %mul3A_367, %add3A_114 : vector<16xf32>
      %mul3A_369 = arith.mulf %get3A_345, %add3A_368 : vector<16xf32>
      %mul3A_370 = arith.mulf %bitcast3A_339, %bitcast3A_87 : vector<16xf32>
      %add3A_371 = arith.addf %mul3A_370, %add3A_120 : vector<16xf32>
      %mul3A_372 = arith.mulf %get3A_348, %add3A_371 : vector<16xf32>
      %mul3A_373 = arith.mulf %bitcast3A_339, %bitcast3A_90 : vector<16xf32>
      %add3A_374 = arith.addf %mul3A_373, %add3A_126 : vector<16xf32>
      %mul3A_375 = arith.mulf %get3A_351, %add3A_374 : vector<16xf32>
      %mul3A_376 = arith.mulf %bitcast3A_339, %bitcast3A_93 : vector<16xf32>
      %add3A_377 = arith.addf %mul3A_376, %add3A_132 : vector<16xf32>
      %mul3A_378 = arith.mulf %get3A_354, %add3A_377 : vector<16xf32>
      %mul3A_379 = arith.mulf %bitcast3A_339, %bitcast3A_96 : vector<16xf32>
      %add3A_380 = arith.addf %mul3A_379, %add3A_138 : vector<16xf32>
      %mul3A_381 = arith.mulf %get3A_357, %add3A_380 : vector<16xf32>
      %mul3A_382 = arith.mulf %bitcast3A_339, %bitcast3A_99 : vector<16xf32>
      %add3A_383 = arith.addf %mul3A_382, %add3A_144 : vector<16xf32>
      %mul3A_384 = arith.mulf %get3A_360, %add3A_383 : vector<16xf32>
      %mul3A_385 = arith.mulf %bitcast3A_339, %bitcast3A_102 : vector<16xf32>
      %add3A_386 = arith.addf %mul3A_385, %add3A_150 : vector<16xf32>
      %mul3A_387 = arith.mulf %get3A_363, %add3A_386 : vector<16xf32>
      %swap3A = arith.index_cast %add3A_336 : i32 to index
      %swap3A_388 = arith.constant 0 : index
      %swap3A_389 = tpu.vector_load %arg6[%swap3A, %swap3A_388] {strides = array<i32>} : memref<512x128xf32, #tpu.memory_space<vmem>>, vector<16xf32>,
      tpu.vector_store %arg6[%swap3A, %swap3A_388], %mul3A_366 {strides = array<i32>} : memref<512x128xf32, #tpu.memory_space<vmem>>, vector<16xf32>,
      %swap3A_390 = arith.index_cast %add3A_336 : i32 to index
      %swap3A_391 = arith.constant 16 : index
      %swap3A_392 = tpu.vector_load %arg6[%swap3A_390, %swap3A_391] {strides = array<i32>} : memref<512x128xf32, #tpu.memory_space<vmem>>, vector<16xf32>,
      tpu.vector_store %arg6[%swap3A_390, %swap3A_391], %mul3A_369 {strides = array<i32>} : memref<512x128xf32, #tpu.memory_space<vmem>>, vector<16xf32>,
      %swap3A_393 = arith.index_cast %add3A_336 : i32 to index
      %swap3A_394 = arith.constant 32 : index
      %swap3A_395 = tpu.vector_load %arg6[%swap3A_393, %swap3A_394] {strides = array<i32>} : memref<512x128xf32, #tpu.memory_space<vmem>>, vector<16xf32>,
      tpu.vector_store %arg6[%swap3A_393, %swap3A_394], %mul3A_372 {strides = array<i32>} : memref<512x128xf32, #tpu.memory_space<vmem>>, vector<16xf32>,
      %swap3A_396 = arith.index_cast %add3A_336 : i32 to index
      %swap3A_397 = arith.constant 48 : index
      %swap3A_398 = tpu.vector_load %arg6[%swap3A_396, %swap3A_397] {strides = array<i32>} : memref<512x128xf32, #tpu.memory_space<vmem>>, vector<16xf32>,
      tpu.vector_store %arg6[%swap3A_396, %swap3A_397], %mul3A_375 {strides = array<i32>} : memref<512x128xf32, #tpu.memory_space<vmem>>, vector<16xf32>,
      %swap3A_399 = arith.index_cast %add3A_336 : i32 to index
      %swap3A_400 = arith.constant 64 : index
      %swap3A_401 = tpu.vector_load %arg6[%swap3A_399, %swap3A_400] {strides = array<i32>} : memref<512x128xf32, #tpu.memory_space<vmem>>, vector<16xf32>,
      tpu.vector_store %arg6[%swap3A_399, %swap3A_400], %mul3A_378 {strides = array<i32>} : memref<512x128xf32, #tpu.memory_space<vmem>>, vector<16xf32>,
      %swap3A_402 = arith.index_cast %add3A_336 : i32 to index
      %swap3A_403 = arith.constant 80 : index
      %swap3A_404 = tpu.vector_load %arg6[%swap3A_402, %swap3A_403] {strides = array<i32>} : memref<512x128xf32, #tpu.memory_space<vmem>>, vector<16xf32>,
      tpu.vector_store %arg6[%swap3A_402, %swap3A_403], %mul3A_381 {strides = array<i32>} : memref<512x128xf32, #tpu.memory_space<vmem>>, vector<16xf32>,
      %swap3A_405 = arith.index_cast %add3A_336 : i32 to index
      %swap3A_406 = arith.constant 96 : index
      %swap3A_407 = tpu.vector_load %arg6[%swap3A_405, %swap3A_406] {strides = array<i32>} : memref<512x128xf32, #tpu.memory_space<vmem>>, vector<16xf32>,
      tpu.vector_store %arg6[%swap3A_405, %swap3A_406], %mul3A_384 {strides = array<i32>} : memref<512x128xf32, #tpu.memory_space<vmem>>, vector<16xf32>,
      %swap3A_408 = arith.index_cast %add3A_336 : i32 to index
      %swap3A_409 = arith.constant 112 : index
      %swap3A_410 = tpu.vector_load %arg6[%swap3A_408, %swap3A_409] {strides = array<i32>} : memref<512x128xf32, #tpu.memory_space<vmem>>, vector<16xf32>,
      tpu.vector_store %arg6[%swap3A_408, %swap3A_409], %mul3A_387 {strides = array<i32>} : memref<512x128xf32, #tpu.memory_space<vmem>>, vector<16xf32>,
    }
    %scan3A_163 = arith.constant 128 : i32
    %add3A_164 = arith.constant 0 : i32
    %add3A_165 = arith.addi %mul3A_2, %add3A_164 : i32
    %dma_start3A_166 = arith.constant 0 : i32
    %dma_start3A_167 = arith.constant 0 : i32
    %dma_start3A_168 = tpu.memref_slice %arg6[%dma_start3A_166, %dma_start3A_167] : memref<512x128xf32, #tpu.memory_space<vmem>> -> memref<128x128xf32, #tpu.memory_space<vmem>>
    %dma_start3A_169 = arith.constant 0 : i32
    %dma_start3A_170 = tpu.memref_slice %arg4[%add3A_165, %dma_start3A_169] : memref<16384x128xf32, #tpu.memory_space<hbm>> -> memref<128x128xf32, #tpu.memory_space<hbm>>
    %dma_start3A_171 = arith.constant 0 : i32
    %dma_start3A_172 = tpu.memref_slice %arg4[%add3A_165, %dma_start3A_171] : memref<16384x128xf32, #tpu.memory_space<hbm>> -> memref<128x128xf32, #tpu.memory_space<hbm>>
    %dma_start3A_173 = arith.constant 0 : i32
    %dma_start3A_174 = arith.constant 0 : i32
    %dma_start3A_175 = tpu.memref_slice %arg6[%dma_start3A_173, %dma_start3A_174] : memref<512x128xf32, #tpu.memory_space<vmem>> -> memref<128x128xf32, #tpu.memory_space<vmem>>
    tpu.enqueue_dma source(%dma_start3A_175 : memref<128x128xf32, #tpu.memory_space<vmem>>) target(%dma_start3A_172 : memref<128x128xf32, #tpu.memory_space<hbm>>) target_semaphore(%arg14 : memref<!tpu.dma_semaphore, #tpu.memory_space<semaphore_mem>>)
    %dma_wait3A_176 = arith.constant 128 : i32
    %dma_wait3A_177 = arith.constant 0 : i32
    %dma_wait3A_178 = tpu.memref_slice %arg6[%dma_wait3A_176, %dma_wait3A_177] : memref<512x128xf32, #tpu.memory_space<vmem>> -> memref<128x128xf32, #tpu.memory_space<vmem>>
    %dma_wait3A_179 = arith.constant 128 : i32
    %dma_wait3A_180 = tpu.memref_slice %arg5[%dma_wait3A_179] : memref<1280xi32, #tpu.memory_space<vmem>> -> memref<128xi32, #tpu.memory_space<vmem>>
    %dma_wait3A_181 = arith.constant 0 : i32
    %dma_wait3A_182 = arith.constant 0 : i32
    %dma_wait3A_183 = tpu.memref_slice %arg2[%dma_wait3A_181, %dma_wait3A_182] : memref<1000000x128xf32, #tpu.memory_space<hbm>> -> memref<1000000x128xf32, #tpu.memory_space<hbm>>
    tpu.wait_indirect_dma semaphore(%arg10 : memref<!tpu.dma_semaphore, #tpu.memory_space<semaphore_mem>>) src(%dma_wait3A_183 : memref<1000000x128xf32, #tpu.memory_space<hbm>>) dst(%dma_wait3A_178 : memref<128x128xf32, #tpu.memory_space<vmem>>)
    %scan3A_184 = arith.constant 0 : i32
    %scan3A_185 = arith.constant 0 : i32
    %scan3A_186 = arith.constant 128 : i32
    %scan3A_187 = arith.addi %scan3A_185, %scan3A_186 : i32
    %scan3A_188 = arith.constant 1 : i32
    scf.for %scan3A_330 = %scan3A_185 to %scan3A_187 step %scan3A_188  : i32 {
      %mul3A_331 = arith.constant 1 : i32
      %mul3A_332 = arith.muli %scan3A_330, %mul3A_331 : i32
      %add3A_333 = arith.constant 128 : i32
      %add3A_334 = arith.addi %add3A_333, %mul3A_332 : i32
      %add3A_335 = arith.constant 0 : i32
      %add3A_336 = arith.addi %add3A_334, %add3A_335 : i32
      %add3A_337 = arith.constant 512 : i32
      %add3A_338 = arith.addi %add3A_337, %add3A_336 : i32
      %broadcast_in_dim3A = vector.broadcast %add3A_338 : i32 to vector<16xi32>
      %gather3A = tpu.vector_load_idx %arg5[%broadcast_in_dim3A] : memref<1280xi32, #tpu.memory_space<vmem>>[vector<16xi32>], vector<16xi32>,
      %bitcast3A_339 = vector.bitcast %gather3A : vector<16xi32> to vector<16xf32>
      %get3A_340 = arith.index_cast %add3A_336 : i32 to index
      %get3A_341 = arith.constant 0 : index
      %get3A_342 = tpu.vector_load %arg6[%get3A_340, %get3A_341] {strides = array<i32>} : memref<512x128xf32, #tpu.memory_space<vmem>>, vector<16xf32>,
      %get3A_343 = arith.index_cast %add3A_336 : i32 to index
      %get3A_344 = arith.constant 16 : index
      %get3A_345 = tpu.vector_load %arg6[%get3A_343, %get3A_344] {strides = array<i32>} : memref<512x128xf32, #tpu.memory_space<vmem>>, vector<16xf32>,
      %get3A_346 = arith.index_cast %add3A_336 : i32 to index
      %get3A_347 = arith.constant 32 : index
      %get3A_348 = tpu.vector_load %arg6[%get3A_346, %get3A_347] {strides = array<i32>} : memref<512x128xf32, #tpu.memory_space<vmem>>, vector<16xf32>,
      %get3A_349 = arith.index_cast %add3A_336 : i32 to index
      %get3A_350 = arith.constant 48 : index
      %get3A_351 = tpu.vector_load %arg6[%get3A_349, %get3A_350] {strides = array<i32>} : memref<512x128xf32, #tpu.memory_space<vmem>>, vector<16xf32>,
      %get3A_352 = arith.index_cast %add3A_336 : i32 to index
      %get3A_353 = arith.constant 64 : index
      %get3A_354 = tpu.vector_load %arg6[%get3A_352, %get3A_353] {strides = array<i32>} : memref<512x128xf32, #tpu.memory_space<vmem>>, vector<16xf32>,
      %get3A_355 = arith.index_cast %add3A_336 : i32 to index
      %get3A_356 = arith.constant 80 : index
      %get3A_357 = tpu.vector_load %arg6[%get3A_355, %get3A_356] {strides = array<i32>} : memref<512x128xf32, #tpu.memory_space<vmem>>, vector<16xf32>,
      %get3A_358 = arith.index_cast %add3A_336 : i32 to index
      %get3A_359 = arith.constant 96 : index
      %get3A_360 = tpu.vector_load %arg6[%get3A_358, %get3A_359] {strides = array<i32>} : memref<512x128xf32, #tpu.memory_space<vmem>>, vector<16xf32>,
      %get3A_361 = arith.index_cast %add3A_336 : i32 to index
      %get3A_362 = arith.constant 112 : index
      %get3A_363 = tpu.vector_load %arg6[%get3A_361, %get3A_362] {strides = array<i32>} : memref<512x128xf32, #tpu.memory_space<vmem>>, vector<16xf32>,
      %mul3A_364 = arith.mulf %bitcast3A_339, %bitcast3A : vector<16xf32>
      %add3A_365 = arith.addf %mul3A_364, %add3A_108 : vector<16xf32>
      %mul3A_366 = arith.mulf %get3A_342, %add3A_365 : vector<16xf32>
      %mul3A_367 = arith.mulf %bitcast3A_339, %bitcast3A_84 : vector<16xf32>
      %add3A_368 = arith.addf %mul3A_367, %add3A_114 : vector<16xf32>
      %mul3A_369 = arith.mulf %get3A_345, %add3A_368 : vector<16xf32>
      %mul3A_370 = arith.mulf %bitcast3A_339, %bitcast3A_87 : vector<16xf32>
      %add3A_371 = arith.addf %mul3A_370, %add3A_120 : vector<16xf32>
      %mul3A_372 = arith.mulf %get3A_348, %add3A_371 : vector<16xf32>
      %mul3A_373 = arith.mulf %bitcast3A_339, %bitcast3A_90 : vector<16xf32>
      %add3A_374 = arith.addf %mul3A_373, %add3A_126 : vector<16xf32>
      %mul3A_375 = arith.mulf %get3A_351, %add3A_374 : vector<16xf32>
      %mul3A_376 = arith.mulf %bitcast3A_339, %bitcast3A_93 : vector<16xf32>
      %add3A_377 = arith.addf %mul3A_376, %add3A_132 : vector<16xf32>
      %mul3A_378 = arith.mulf %get3A_354, %add3A_377 : vector<16xf32>
      %mul3A_379 = arith.mulf %bitcast3A_339, %bitcast3A_96 : vector<16xf32>
      %add3A_380 = arith.addf %mul3A_379, %add3A_138 : vector<16xf32>
      %mul3A_381 = arith.mulf %get3A_357, %add3A_380 : vector<16xf32>
      %mul3A_382 = arith.mulf %bitcast3A_339, %bitcast3A_99 : vector<16xf32>
      %add3A_383 = arith.addf %mul3A_382, %add3A_144 : vector<16xf32>
      %mul3A_384 = arith.mulf %get3A_360, %add3A_383 : vector<16xf32>
      %mul3A_385 = arith.mulf %bitcast3A_339, %bitcast3A_102 : vector<16xf32>
      %add3A_386 = arith.addf %mul3A_385, %add3A_150 : vector<16xf32>
      %mul3A_387 = arith.mulf %get3A_363, %add3A_386 : vector<16xf32>
      %swap3A = arith.index_cast %add3A_336 : i32 to index
      %swap3A_388 = arith.constant 0 : index
      %swap3A_389 = tpu.vector_load %arg6[%swap3A, %swap3A_388] {strides = array<i32>} : memref<512x128xf32, #tpu.memory_space<vmem>>, vector<16xf32>,
      tpu.vector_store %arg6[%swap3A, %swap3A_388], %mul3A_366 {strides = array<i32>} : memref<512x128xf32, #tpu.memory_space<vmem>>, vector<16xf32>,
      %swap3A_390 = arith.index_cast %add3A_336 : i32 to index
      %swap3A_391 = arith.constant 16 : index
      %swap3A_392 = tpu.vector_load %arg6[%swap3A_390, %swap3A_391] {strides = array<i32>} : memref<512x128xf32, #tpu.memory_space<vmem>>, vector<16xf32>,
      tpu.vector_store %arg6[%swap3A_390, %swap3A_391], %mul3A_369 {strides = array<i32>} : memref<512x128xf32, #tpu.memory_space<vmem>>, vector<16xf32>,
      %swap3A_393 = arith.index_cast %add3A_336 : i32 to index
      %swap3A_394 = arith.constant 32 : index
      %swap3A_395 = tpu.vector_load %arg6[%swap3A_393, %swap3A_394] {strides = array<i32>} : memref<512x128xf32, #tpu.memory_space<vmem>>, vector<16xf32>,
      tpu.vector_store %arg6[%swap3A_393, %swap3A_394], %mul3A_372 {strides = array<i32>} : memref<512x128xf32, #tpu.memory_space<vmem>>, vector<16xf32>,
      %swap3A_396 = arith.index_cast %add3A_336 : i32 to index
      %swap3A_397 = arith.constant 48 : index
      %swap3A_398 = tpu.vector_load %arg6[%swap3A_396, %swap3A_397] {strides = array<i32>} : memref<512x128xf32, #tpu.memory_space<vmem>>, vector<16xf32>,
      tpu.vector_store %arg6[%swap3A_396, %swap3A_397], %mul3A_375 {strides = array<i32>} : memref<512x128xf32, #tpu.memory_space<vmem>>, vector<16xf32>,
      %swap3A_399 = arith.index_cast %add3A_336 : i32 to index
      %swap3A_400 = arith.constant 64 : index
      %swap3A_401 = tpu.vector_load %arg6[%swap3A_399, %swap3A_400] {strides = array<i32>} : memref<512x128xf32, #tpu.memory_space<vmem>>, vector<16xf32>,
      tpu.vector_store %arg6[%swap3A_399, %swap3A_400], %mul3A_378 {strides = array<i32>} : memref<512x128xf32, #tpu.memory_space<vmem>>, vector<16xf32>,
      %swap3A_402 = arith.index_cast %add3A_336 : i32 to index
      %swap3A_403 = arith.constant 80 : index
      %swap3A_404 = tpu.vector_load %arg6[%swap3A_402, %swap3A_403] {strides = array<i32>} : memref<512x128xf32, #tpu.memory_space<vmem>>, vector<16xf32>,
      tpu.vector_store %arg6[%swap3A_402, %swap3A_403], %mul3A_381 {strides = array<i32>} : memref<512x128xf32, #tpu.memory_space<vmem>>, vector<16xf32>,
      %swap3A_405 = arith.index_cast %add3A_336 : i32 to index
      %swap3A_406 = arith.constant 96 : index
      %swap3A_407 = tpu.vector_load %arg6[%swap3A_405, %swap3A_406] {strides = array<i32>} : memref<512x128xf32, #tpu.memory_space<vmem>>, vector<16xf32>,
      tpu.vector_store %arg6[%swap3A_405, %swap3A_406], %mul3A_384 {strides = array<i32>} : memref<512x128xf32, #tpu.memory_space<vmem>>, vector<16xf32>,
      %swap3A_408 = arith.index_cast %add3A_336 : i32 to index
      %swap3A_409 = arith.constant 112 : index
      %swap3A_410 = tpu.vector_load %arg6[%swap3A_408, %swap3A_409] {strides = array<i32>} : memref<512x128xf32, #tpu.memory_space<vmem>>, vector<16xf32>,
      tpu.vector_store %arg6[%swap3A_408, %swap3A_409], %mul3A_387 {strides = array<i32>} : memref<512x128xf32, #tpu.memory_space<vmem>>, vector<16xf32>,
    }
    %scan3A_189 = arith.constant 128 : i32
    %add3A_190 = arith.constant 128 : i32
    %add3A_191 = arith.addi %mul3A_2, %add3A_190 : i32
    %dma_start3A_192 = arith.constant 128 : i32
    %dma_start3A_193 = arith.constant 0 : i32
    %dma_start3A_194 = tpu.memref_slice %arg6[%dma_start3A_192, %dma_start3A_193] : memref<512x128xf32, #tpu.memory_space<vmem>> -> memref<128x128xf32, #tpu.memory_space<vmem>>
    %dma_start3A_195 = arith.constant 0 : i32
    %dma_start3A_196 = tpu.memref_slice %arg4[%add3A_191, %dma_start3A_195] : memref<16384x128xf32, #tpu.memory_space<hbm>> -> memref<128x128xf32, #tpu.memory_space<hbm>>
    %dma_start3A_197 = arith.constant 0 : i32
    %dma_start3A_198 = tpu.memref_slice %arg4[%add3A_191, %dma_start3A_197] : memref<16384x128xf32, #tpu.memory_space<hbm>> -> memref<128x128xf32, #tpu.memory_space<hbm>>
    %dma_start3A_199 = arith.constant 128 : i32
    %dma_start3A_200 = arith.constant 0 : i32
    %dma_start3A_201 = tpu.memref_slice %arg6[%dma_start3A_199, %dma_start3A_200] : memref<512x128xf32, #tpu.memory_space<vmem>> -> memref<128x128xf32, #tpu.memory_space<vmem>>
    tpu.enqueue_dma source(%dma_start3A_201 : memref<128x128xf32, #tpu.memory_space<vmem>>) target(%dma_start3A_198 : memref<128x128xf32, #tpu.memory_space<hbm>>) target_semaphore(%arg14 : memref<!tpu.dma_semaphore, #tpu.memory_space<semaphore_mem>>)
    %dma_wait3A_202 = arith.constant 256 : i32
    %dma_wait3A_203 = arith.constant 0 : i32
    %dma_wait3A_204 = tpu.memref_slice %arg6[%dma_wait3A_202, %dma_wait3A_203] : memref<512x128xf32, #tpu.memory_space<vmem>> -> memref<128x128xf32, #tpu.memory_space<vmem>>
    %dma_wait3A_205 = arith.constant 256 : i32
    %dma_wait3A_206 = tpu.memref_slice %arg5[%dma_wait3A_205] : memref<1280xi32, #tpu.memory_space<vmem>> -> memref<128xi32, #tpu.memory_space<vmem>>
    %dma_wait3A_207 = arith.constant 0 : i32
    %dma_wait3A_208 = arith.constant 0 : i32
    %dma_wait3A_209 = tpu.memref_slice %arg2[%dma_wait3A_207, %dma_wait3A_208] : memref<1000000x128xf32, #tpu.memory_space<hbm>> -> memref<1000000x128xf32, #tpu.memory_space<hbm>>
    tpu.wait_indirect_dma semaphore(%arg11 : memref<!tpu.dma_semaphore, #tpu.memory_space<semaphore_mem>>) src(%dma_wait3A_209 : memref<1000000x128xf32, #tpu.memory_space<hbm>>) dst(%dma_wait3A_204 : memref<128x128xf32, #tpu.memory_space<vmem>>)
    %scan3A_210 = arith.constant 0 : i32
    %scan3A_211 = arith.constant 0 : i32
    %scan3A_212 = arith.constant 128 : i32
    %scan3A_213 = arith.addi %scan3A_211, %scan3A_212 : i32
    %scan3A_214 = arith.constant 1 : i32
    scf.for %scan3A_330 = %scan3A_211 to %scan3A_213 step %scan3A_214  : i32 {
      %mul3A_331 = arith.constant 1 : i32
      %mul3A_332 = arith.muli %scan3A_330, %mul3A_331 : i32
      %add3A_333 = arith.constant 256 : i32
      %add3A_334 = arith.addi %add3A_333, %mul3A_332 : i32
      %add3A_335 = arith.constant 0 : i32
      %add3A_336 = arith.addi %add3A_334, %add3A_335 : i32
      %add3A_337 = arith.constant 512 : i32
      %add3A_338 = arith.addi %add3A_337, %add3A_336 : i32
      %broadcast_in_dim3A = vector.broadcast %add3A_338 : i32 to vector<16xi32>
      %gather3A = tpu.vector_load_idx %arg5[%broadcast_in_dim3A] : memref<1280xi32, #tpu.memory_space<vmem>>[vector<16xi32>], vector<16xi32>,
      %bitcast3A_339 = vector.bitcast %gather3A : vector<16xi32> to vector<16xf32>
      %get3A_340 = arith.index_cast %add3A_336 : i32 to index
      %get3A_341 = arith.constant 0 : index
      %get3A_342 = tpu.vector_load %arg6[%get3A_340, %get3A_341] {strides = array<i32>} : memref<512x128xf32, #tpu.memory_space<vmem>>, vector<16xf32>,
      %get3A_343 = arith.index_cast %add3A_336 : i32 to index
      %get3A_344 = arith.constant 16 : index
      %get3A_345 = tpu.vector_load %arg6[%get3A_343, %get3A_344] {strides = array<i32>} : memref<512x128xf32, #tpu.memory_space<vmem>>, vector<16xf32>,
      %get3A_346 = arith.index_cast %add3A_336 : i32 to index
      %get3A_347 = arith.constant 32 : index
      %get3A_348 = tpu.vector_load %arg6[%get3A_346, %get3A_347] {strides = array<i32>} : memref<512x128xf32, #tpu.memory_space<vmem>>, vector<16xf32>,
      %get3A_349 = arith.index_cast %add3A_336 : i32 to index
      %get3A_350 = arith.constant 48 : index
      %get3A_351 = tpu.vector_load %arg6[%get3A_349, %get3A_350] {strides = array<i32>} : memref<512x128xf32, #tpu.memory_space<vmem>>, vector<16xf32>,
      %get3A_352 = arith.index_cast %add3A_336 : i32 to index
      %get3A_353 = arith.constant 64 : index
      %get3A_354 = tpu.vector_load %arg6[%get3A_352, %get3A_353] {strides = array<i32>} : memref<512x128xf32, #tpu.memory_space<vmem>>, vector<16xf32>,
      %get3A_355 = arith.index_cast %add3A_336 : i32 to index
      %get3A_356 = arith.constant 80 : index
      %get3A_357 = tpu.vector_load %arg6[%get3A_355, %get3A_356] {strides = array<i32>} : memref<512x128xf32, #tpu.memory_space<vmem>>, vector<16xf32>,
      %get3A_358 = arith.index_cast %add3A_336 : i32 to index
      %get3A_359 = arith.constant 96 : index
      %get3A_360 = tpu.vector_load %arg6[%get3A_358, %get3A_359] {strides = array<i32>} : memref<512x128xf32, #tpu.memory_space<vmem>>, vector<16xf32>,
      %get3A_361 = arith.index_cast %add3A_336 : i32 to index
      %get3A_362 = arith.constant 112 : index
      %get3A_363 = tpu.vector_load %arg6[%get3A_361, %get3A_362] {strides = array<i32>} : memref<512x128xf32, #tpu.memory_space<vmem>>, vector<16xf32>,
      %mul3A_364 = arith.mulf %bitcast3A_339, %bitcast3A : vector<16xf32>
      %add3A_365 = arith.addf %mul3A_364, %add3A_108 : vector<16xf32>
      %mul3A_366 = arith.mulf %get3A_342, %add3A_365 : vector<16xf32>
      %mul3A_367 = arith.mulf %bitcast3A_339, %bitcast3A_84 : vector<16xf32>
      %add3A_368 = arith.addf %mul3A_367, %add3A_114 : vector<16xf32>
      %mul3A_369 = arith.mulf %get3A_345, %add3A_368 : vector<16xf32>
      %mul3A_370 = arith.mulf %bitcast3A_339, %bitcast3A_87 : vector<16xf32>
      %add3A_371 = arith.addf %mul3A_370, %add3A_120 : vector<16xf32>
      %mul3A_372 = arith.mulf %get3A_348, %add3A_371 : vector<16xf32>
      %mul3A_373 = arith.mulf %bitcast3A_339, %bitcast3A_90 : vector<16xf32>
      %add3A_374 = arith.addf %mul3A_373, %add3A_126 : vector<16xf32>
      %mul3A_375 = arith.mulf %get3A_351, %add3A_374 : vector<16xf32>
      %mul3A_376 = arith.mulf %bitcast3A_339, %bitcast3A_93 : vector<16xf32>
      %add3A_377 = arith.addf %mul3A_376, %add3A_132 : vector<16xf32>
      %mul3A_378 = arith.mulf %get3A_354, %add3A_377 : vector<16xf32>
      %mul3A_379 = arith.mulf %bitcast3A_339, %bitcast3A_96 : vector<16xf32>
      %add3A_380 = arith.addf %mul3A_379, %add3A_138 : vector<16xf32>
      %mul3A_381 = arith.mulf %get3A_357, %add3A_380 : vector<16xf32>
      %mul3A_382 = arith.mulf %bitcast3A_339, %bitcast3A_99 : vector<16xf32>
      %add3A_383 = arith.addf %mul3A_382, %add3A_144 : vector<16xf32>
      %mul3A_384 = arith.mulf %get3A_360, %add3A_383 : vector<16xf32>
      %mul3A_385 = arith.mulf %bitcast3A_339, %bitcast3A_102 : vector<16xf32>
      %add3A_386 = arith.addf %mul3A_385, %add3A_150 : vector<16xf32>
      %mul3A_387 = arith.mulf %get3A_363, %add3A_386 : vector<16xf32>
      %swap3A = arith.index_cast %add3A_336 : i32 to index
      %swap3A_388 = arith.constant 0 : index
      %swap3A_389 = tpu.vector_load %arg6[%swap3A, %swap3A_388] {strides = array<i32>} : memref<512x128xf32, #tpu.memory_space<vmem>>, vector<16xf32>,
      tpu.vector_store %arg6[%swap3A, %swap3A_388], %mul3A_366 {strides = array<i32>} : memref<512x128xf32, #tpu.memory_space<vmem>>, vector<16xf32>,
      %swap3A_390 = arith.index_cast %add3A_336 : i32 to index
      %swap3A_391 = arith.constant 16 : index
      %swap3A_392 = tpu.vector_load %arg6[%swap3A_390, %swap3A_391] {strides = array<i32>} : memref<512x128xf32, #tpu.memory_space<vmem>>, vector<16xf32>,
      tpu.vector_store %arg6[%swap3A_390, %swap3A_391], %mul3A_369 {strides = array<i32>} : memref<512x128xf32, #tpu.memory_space<vmem>>, vector<16xf32>,
      %swap3A_393 = arith.index_cast %add3A_336 : i32 to index
      %swap3A_394 = arith.constant 32 : index
      %swap3A_395 = tpu.vector_load %arg6[%swap3A_393, %swap3A_394] {strides = array<i32>} : memref<512x128xf32, #tpu.memory_space<vmem>>, vector<16xf32>,
      tpu.vector_store %arg6[%swap3A_393, %swap3A_394], %mul3A_372 {strides = array<i32>} : memref<512x128xf32, #tpu.memory_space<vmem>>, vector<16xf32>,
      %swap3A_396 = arith.index_cast %add3A_336 : i32 to index
      %swap3A_397 = arith.constant 48 : index
      %swap3A_398 = tpu.vector_load %arg6[%swap3A_396, %swap3A_397] {strides = array<i32>} : memref<512x128xf32, #tpu.memory_space<vmem>>, vector<16xf32>,
      tpu.vector_store %arg6[%swap3A_396, %swap3A_397], %mul3A_375 {strides = array<i32>} : memref<512x128xf32, #tpu.memory_space<vmem>>, vector<16xf32>,
      %swap3A_399 = arith.index_cast %add3A_336 : i32 to index
      %swap3A_400 = arith.constant 64 : index
      %swap3A_401 = tpu.vector_load %arg6[%swap3A_399, %swap3A_400] {strides = array<i32>} : memref<512x128xf32, #tpu.memory_space<vmem>>, vector<16xf32>,
      tpu.vector_store %arg6[%swap3A_399, %swap3A_400], %mul3A_378 {strides = array<i32>} : memref<512x128xf32, #tpu.memory_space<vmem>>, vector<16xf32>,
      %swap3A_402 = arith.index_cast %add3A_336 : i32 to index
      %swap3A_403 = arith.constant 80 : index
      %swap3A_404 = tpu.vector_load %arg6[%swap3A_402, %swap3A_403] {strides = array<i32>} : memref<512x128xf32, #tpu.memory_space<vmem>>, vector<16xf32>,
      tpu.vector_store %arg6[%swap3A_402, %swap3A_403], %mul3A_381 {strides = array<i32>} : memref<512x128xf32, #tpu.memory_space<vmem>>, vector<16xf32>,
      %swap3A_405 = arith.index_cast %add3A_336 : i32 to index
      %swap3A_406 = arith.constant 96 : index
      %swap3A_407 = tpu.vector_load %arg6[%swap3A_405, %swap3A_406] {strides = array<i32>} : memref<512x128xf32, #tpu.memory_space<vmem>>, vector<16xf32>,
      tpu.vector_store %arg6[%swap3A_405, %swap3A_406], %mul3A_384 {strides = array<i32>} : memref<512x128xf32, #tpu.memory_space<vmem>>, vector<16xf32>,
      %swap3A_408 = arith.index_cast %add3A_336 : i32 to index
      %swap3A_409 = arith.constant 112 : index
      %swap3A_410 = tpu.vector_load %arg6[%swap3A_408, %swap3A_409] {strides = array<i32>} : memref<512x128xf32, #tpu.memory_space<vmem>>, vector<16xf32>,
      tpu.vector_store %arg6[%swap3A_408, %swap3A_409], %mul3A_387 {strides = array<i32>} : memref<512x128xf32, #tpu.memory_space<vmem>>, vector<16xf32>,
    }
    %scan3A_215 = arith.constant 128 : i32
    %add3A_216 = arith.constant 256 : i32
    %add3A_217 = arith.addi %mul3A_2, %add3A_216 : i32
    %dma_start3A_218 = arith.constant 256 : i32
    %dma_start3A_219 = arith.constant 0 : i32
    %dma_start3A_220 = tpu.memref_slice %arg6[%dma_start3A_218, %dma_start3A_219] : memref<512x128xf32, #tpu.memory_space<vmem>> -> memref<128x128xf32, #tpu.memory_space<vmem>>
    %dma_start3A_221 = arith.constant 0 : i32
    %dma_start3A_222 = tpu.memref_slice %arg4[%add3A_217, %dma_start3A_221] : memref<16384x128xf32, #tpu.memory_space<hbm>> -> memref<128x128xf32, #tpu.memory_space<hbm>>
    %dma_start3A_223 = arith.constant 0 : i32
    %dma_start3A_224 = tpu.memref_slice %arg4[%add3A_217, %dma_start3A_223] : memref<16384x128xf32, #tpu.memory_space<hbm>> -> memref<128x128xf32, #tpu.memory_space<hbm>>
    %dma_start3A_225 = arith.constant 256 : i32
    %dma_start3A_226 = arith.constant 0 : i32
    %dma_start3A_227 = tpu.memref_slice %arg6[%dma_start3A_225, %dma_start3A_226] : memref<512x128xf32, #tpu.memory_space<vmem>> -> memref<128x128xf32, #tpu.memory_space<vmem>>
    tpu.enqueue_dma source(%dma_start3A_227 : memref<128x128xf32, #tpu.memory_space<vmem>>) target(%dma_start3A_224 : memref<128x128xf32, #tpu.memory_space<hbm>>) target_semaphore(%arg14 : memref<!tpu.dma_semaphore, #tpu.memory_space<semaphore_mem>>)
    %dma_wait3A_228 = arith.constant 384 : i32
    %dma_wait3A_229 = arith.constant 0 : i32
    %dma_wait3A_230 = tpu.memref_slice %arg6[%dma_wait3A_228, %dma_wait3A_229] : memref<512x128xf32, #tpu.memory_space<vmem>> -> memref<96x128xf32, #tpu.memory_space<vmem>>
    %dma_wait3A_231 = arith.constant 384 : i32
    %dma_wait3A_232 = tpu.memref_slice %arg5[%dma_wait3A_231] : memref<1280xi32, #tpu.memory_space<vmem>> -> memref<96xi32, #tpu.memory_space<vmem>>
    %dma_wait3A_233 = arith.constant 0 : i32
    %dma_wait3A_234 = arith.constant 0 : i32
    %dma_wait3A_235 = tpu.memref_slice %arg2[%dma_wait3A_233, %dma_wait3A_234] : memref<1000000x128xf32, #tpu.memory_space<hbm>> -> memref<1000000x128xf32, #tpu.memory_space<hbm>>
    tpu.wait_indirect_dma semaphore(%arg12 : memref<!tpu.dma_semaphore, #tpu.memory_space<semaphore_mem>>) src(%dma_wait3A_235 : memref<1000000x128xf32, #tpu.memory_space<hbm>>) dst(%dma_wait3A_230 : memref<96x128xf32, #tpu.memory_space<vmem>>)
    %scan3A_236 = arith.constant 0 : i32
    %scan3A_237 = arith.constant 0 : i32
    %scan3A_238 = arith.constant 96 : i32
    %scan3A_239 = arith.addi %scan3A_237, %scan3A_238 : i32
    %scan3A_240 = arith.constant 1 : i32
    scf.for %scan3A_330 = %scan3A_237 to %scan3A_239 step %scan3A_240  : i32 {
      %mul3A_331 = arith.constant 1 : i32
      %mul3A_332 = arith.muli %scan3A_330, %mul3A_331 : i32
      %add3A_333 = arith.constant 384 : i32
      %add3A_334 = arith.addi %add3A_333, %mul3A_332 : i32
      %add3A_335 = arith.constant 0 : i32
      %add3A_336 = arith.addi %add3A_334, %add3A_335 : i32
      %add3A_337 = arith.constant 512 : i32
      %add3A_338 = arith.addi %add3A_337, %add3A_336 : i32
      %broadcast_in_dim3A = vector.broadcast %add3A_338 : i32 to vector<16xi32>
      %gather3A = tpu.vector_load_idx %arg5[%broadcast_in_dim3A] : memref<1280xi32, #tpu.memory_space<vmem>>[vector<16xi32>], vector<16xi32>,
      %bitcast3A_339 = vector.bitcast %gather3A : vector<16xi32> to vector<16xf32>
      %get3A_340 = arith.index_cast %add3A_336 : i32 to index
      %get3A_341 = arith.constant 0 : index
      %get3A_342 = tpu.vector_load %arg6[%get3A_340, %get3A_341] {strides = array<i32>} : memref<512x128xf32, #tpu.memory_space<vmem>>, vector<16xf32>,
      %get3A_343 = arith.index_cast %add3A_336 : i32 to index
      %get3A_344 = arith.constant 16 : index
      %get3A_345 = tpu.vector_load %arg6[%get3A_343, %get3A_344] {strides = array<i32>} : memref<512x128xf32, #tpu.memory_space<vmem>>, vector<16xf32>,
      %get3A_346 = arith.index_cast %add3A_336 : i32 to index
      %get3A_347 = arith.constant 32 : index
      %get3A_348 = tpu.vector_load %arg6[%get3A_346, %get3A_347] {strides = array<i32>} : memref<512x128xf32, #tpu.memory_space<vmem>>, vector<16xf32>,
      %get3A_349 = arith.index_cast %add3A_336 : i32 to index
      %get3A_350 = arith.constant 48 : index
      %get3A_351 = tpu.vector_load %arg6[%get3A_349, %get3A_350] {strides = array<i32>} : memref<512x128xf32, #tpu.memory_space<vmem>>, vector<16xf32>,
      %get3A_352 = arith.index_cast %add3A_336 : i32 to index
      %get3A_353 = arith.constant 64 : index
      %get3A_354 = tpu.vector_load %arg6[%get3A_352, %get3A_353] {strides = array<i32>} : memref<512x128xf32, #tpu.memory_space<vmem>>, vector<16xf32>,
      %get3A_355 = arith.index_cast %add3A_336 : i32 to index
      %get3A_356 = arith.constant 80 : index
      %get3A_357 = tpu.vector_load %arg6[%get3A_355, %get3A_356] {strides = array<i32>} : memref<512x128xf32, #tpu.memory_space<vmem>>, vector<16xf32>,
      %get3A_358 = arith.index_cast %add3A_336 : i32 to index
      %get3A_359 = arith.constant 96 : index
      %get3A_360 = tpu.vector_load %arg6[%get3A_358, %get3A_359] {strides = array<i32>} : memref<512x128xf32, #tpu.memory_space<vmem>>, vector<16xf32>,
      %get3A_361 = arith.index_cast %add3A_336 : i32 to index
      %get3A_362 = arith.constant 112 : index
      %get3A_363 = tpu.vector_load %arg6[%get3A_361, %get3A_362] {strides = array<i32>} : memref<512x128xf32, #tpu.memory_space<vmem>>, vector<16xf32>,
      %mul3A_364 = arith.mulf %bitcast3A_339, %bitcast3A : vector<16xf32>
      %add3A_365 = arith.addf %mul3A_364, %add3A_108 : vector<16xf32>
      %mul3A_366 = arith.mulf %get3A_342, %add3A_365 : vector<16xf32>
      %mul3A_367 = arith.mulf %bitcast3A_339, %bitcast3A_84 : vector<16xf32>
      %add3A_368 = arith.addf %mul3A_367, %add3A_114 : vector<16xf32>
      %mul3A_369 = arith.mulf %get3A_345, %add3A_368 : vector<16xf32>
      %mul3A_370 = arith.mulf %bitcast3A_339, %bitcast3A_87 : vector<16xf32>
      %add3A_371 = arith.addf %mul3A_370, %add3A_120 : vector<16xf32>
      %mul3A_372 = arith.mulf %get3A_348, %add3A_371 : vector<16xf32>
      %mul3A_373 = arith.mulf %bitcast3A_339, %bitcast3A_90 : vector<16xf32>
      %add3A_374 = arith.addf %mul3A_373, %add3A_126 : vector<16xf32>
      %mul3A_375 = arith.mulf %get3A_351, %add3A_374 : vector<16xf32>
      %mul3A_376 = arith.mulf %bitcast3A_339, %bitcast3A_93 : vector<16xf32>
      %add3A_377 = arith.addf %mul3A_376, %add3A_132 : vector<16xf32>
      %mul3A_378 = arith.mulf %get3A_354, %add3A_377 : vector<16xf32>
      %mul3A_379 = arith.mulf %bitcast3A_339, %bitcast3A_96 : vector<16xf32>
      %add3A_380 = arith.addf %mul3A_379, %add3A_138 : vector<16xf32>
      %mul3A_381 = arith.mulf %get3A_357, %add3A_380 : vector<16xf32>
      %mul3A_382 = arith.mulf %bitcast3A_339, %bitcast3A_99 : vector<16xf32>
      %add3A_383 = arith.addf %mul3A_382, %add3A_144 : vector<16xf32>
      %mul3A_384 = arith.mulf %get3A_360, %add3A_383 : vector<16xf32>
      %mul3A_385 = arith.mulf %bitcast3A_339, %bitcast3A_102 : vector<16xf32>
      %add3A_386 = arith.addf %mul3A_385, %add3A_150 : vector<16xf32>
      %mul3A_387 = arith.mulf %get3A_363, %add3A_386 : vector<16xf32>
      %swap3A = arith.index_cast %add3A_336 : i32 to index
      %swap3A_388 = arith.constant 0 : index
      %swap3A_389 = tpu.vector_load %arg6[%swap3A, %swap3A_388] {strides = array<i32>} : memref<512x128xf32, #tpu.memory_space<vmem>>, vector<16xf32>,
      tpu.vector_store %arg6[%swap3A, %swap3A_388], %mul3A_366 {strides = array<i32>} : memref<512x128xf32, #tpu.memory_space<vmem>>, vector<16xf32>,
      %swap3A_390 = arith.index_cast %add3A_336 : i32 to index
      %swap3A_391 = arith.constant 16 : index
      %swap3A_392 = tpu.vector_load %arg6[%swap3A_390, %swap3A_391] {strides = array<i32>} : memref<512x128xf32, #tpu.memory_space<vmem>>, vector<16xf32>,
      tpu.vector_store %arg6[%swap3A_390, %swap3A_391], %mul3A_369 {strides = array<i32>} : memref<512x128xf32, #tpu.memory_space<vmem>>, vector<16xf32>,
      %swap3A_393 = arith.index_cast %add3A_336 : i32 to index
      %swap3A_394 = arith.constant 32 : index
      %swap3A_395 = tpu.vector_load %arg6[%swap3A_393, %swap3A_394] {strides = array<i32>} : memref<512x128xf32, #tpu.memory_space<vmem>>, vector<16xf32>,
      tpu.vector_store %arg6[%swap3A_393, %swap3A_394], %mul3A_372 {strides = array<i32>} : memref<512x128xf32, #tpu.memory_space<vmem>>, vector<16xf32>,
      %swap3A_396 = arith.index_cast %add3A_336 : i32 to index
      %swap3A_397 = arith.constant 48 : index
      %swap3A_398 = tpu.vector_load %arg6[%swap3A_396, %swap3A_397] {strides = array<i32>} : memref<512x128xf32, #tpu.memory_space<vmem>>, vector<16xf32>,
      tpu.vector_store %arg6[%swap3A_396, %swap3A_397], %mul3A_375 {strides = array<i32>} : memref<512x128xf32, #tpu.memory_space<vmem>>, vector<16xf32>,
      %swap3A_399 = arith.index_cast %add3A_336 : i32 to index
      %swap3A_400 = arith.constant 64 : index
      %swap3A_401 = tpu.vector_load %arg6[%swap3A_399, %swap3A_400] {strides = array<i32>} : memref<512x128xf32, #tpu.memory_space<vmem>>, vector<16xf32>,
      tpu.vector_store %arg6[%swap3A_399, %swap3A_400], %mul3A_378 {strides = array<i32>} : memref<512x128xf32, #tpu.memory_space<vmem>>, vector<16xf32>,
      %swap3A_402 = arith.index_cast %add3A_336 : i32 to index
      %swap3A_403 = arith.constant 80 : index
      %swap3A_404 = tpu.vector_load %arg6[%swap3A_402, %swap3A_403] {strides = array<i32>} : memref<512x128xf32, #tpu.memory_space<vmem>>, vector<16xf32>,
      tpu.vector_store %arg6[%swap3A_402, %swap3A_403], %mul3A_381 {strides = array<i32>} : memref<512x128xf32, #tpu.memory_space<vmem>>, vector<16xf32>,
      %swap3A_405 = arith.index_cast %add3A_336 : i32 to index
      %swap3A_406 = arith.constant 96 : index
      %swap3A_407 = tpu.vector_load %arg6[%swap3A_405, %swap3A_406] {strides = array<i32>} : memref<512x128xf32, #tpu.memory_space<vmem>>, vector<16xf32>,
      tpu.vector_store %arg6[%swap3A_405, %swap3A_406], %mul3A_384 {strides = array<i32>} : memref<512x128xf32, #tpu.memory_space<vmem>>, vector<16xf32>,
      %swap3A_408 = arith.index_cast %add3A_336 : i32 to index
      %swap3A_409 = arith.constant 112 : index
      %swap3A_410 = tpu.vector_load %arg6[%swap3A_408, %swap3A_409] {strides = array<i32>} : memref<512x128xf32, #tpu.memory_space<vmem>>, vector<16xf32>,
      tpu.vector_store %arg6[%swap3A_408, %swap3A_409], %mul3A_387 {strides = array<i32>} : memref<512x128xf32, #tpu.memory_space<vmem>>, vector<16xf32>,
    }
    %scan3A_241 = arith.constant 96 : i32
    %add3A_242 = arith.constant 384 : i32
    %add3A_243 = arith.addi %mul3A_2, %add3A_242 : i32
    %dma_start3A_244 = arith.constant 384 : i32
    %dma_start3A_245 = arith.constant 0 : i32
    %dma_start3A_246 = tpu.memref_slice %arg6[%dma_start3A_244, %dma_start3A_245] : memref<512x128xf32, #tpu.memory_space<vmem>> -> memref<96x128xf32, #tpu.memory_space<vmem>>
    %dma_start3A_247 = arith.constant 0 : i32
    %dma_start3A_248 = tpu.memref_slice %arg4[%add3A_243, %dma_start3A_247] : memref<16384x128xf32, #tpu.memory_space<hbm>> -> memref<96x128xf32, #tpu.memory_space<hbm>>
    %dma_start3A_249 = arith.constant 0 : i32
    %dma_start3A_250 = tpu.memref_slice %arg4[%add3A_243, %dma_start3A_249] : memref<16384x128xf32, #tpu.memory_space<hbm>> -> memref<96x128xf32, #tpu.memory_space<hbm>>
    %dma_start3A_251 = arith.constant 384 : i32
    %dma_start3A_252 = arith.constant 0 : i32
    %dma_start3A_253 = tpu.memref_slice %arg6[%dma_start3A_251, %dma_start3A_252] : memref<512x128xf32, #tpu.memory_space<vmem>> -> memref<96x128xf32, #tpu.memory_space<vmem>>
    tpu.enqueue_dma source(%dma_start3A_253 : memref<96x128xf32, #tpu.memory_space<vmem>>) target(%dma_start3A_250 : memref<96x128xf32, #tpu.memory_space<hbm>>) target_semaphore(%arg14 : memref<!tpu.dma_semaphore, #tpu.memory_space<semaphore_mem>>)
    %dma_wait3A_254 = arith.constant 480 : i32
    %dma_wait3A_255 = arith.constant 0 : i32
    %dma_wait3A_256 = tpu.memref_slice %arg6[%dma_wait3A_254, %dma_wait3A_255] : memref<512x128xf32, #tpu.memory_space<vmem>> -> memref<32x128xf32, #tpu.memory_space<vmem>>
    %dma_wait3A_257 = arith.constant 480 : i32
    %dma_wait3A_258 = tpu.memref_slice %arg5[%dma_wait3A_257] : memref<1280xi32, #tpu.memory_space<vmem>> -> memref<32xi32, #tpu.memory_space<vmem>>
    %dma_wait3A_259 = arith.constant 0 : i32
    %dma_wait3A_260 = arith.constant 0 : i32
    %dma_wait3A_261 = tpu.memref_slice %arg2[%dma_wait3A_259, %dma_wait3A_260] : memref<1000000x128xf32, #tpu.memory_space<hbm>> -> memref<1000000x128xf32, #tpu.memory_space<hbm>>
    tpu.wait_indirect_dma semaphore(%arg13 : memref<!tpu.dma_semaphore, #tpu.memory_space<semaphore_mem>>) src(%dma_wait3A_261 : memref<1000000x128xf32, #tpu.memory_space<hbm>>) dst(%dma_wait3A_256 : memref<32x128xf32, #tpu.memory_space<vmem>>)
    %scan3A_262 = arith.constant 0 : i32
    %scan3A_263 = arith.constant 0 : i32
    %scan3A_264 = arith.constant 32 : i32
    %scan3A_265 = arith.addi %scan3A_263, %scan3A_264 : i32
    %scan3A_266 = arith.constant 1 : i32
    scf.for %scan3A_330 = %scan3A_263 to %scan3A_265 step %scan3A_266  : i32 {
      %mul3A_331 = arith.constant 1 : i32
      %mul3A_332 = arith.muli %scan3A_330, %mul3A_331 : i32
      %add3A_333 = arith.constant 480 : i32
      %add3A_334 = arith.addi %add3A_333, %mul3A_332 : i32
      %add3A_335 = arith.constant 0 : i32
      %add3A_336 = arith.addi %add3A_334, %add3A_335 : i32
      %add3A_337 = arith.constant 512 : i32
      %add3A_338 = arith.addi %add3A_337, %add3A_336 : i32
      %broadcast_in_dim3A = vector.broadcast %add3A_338 : i32 to vector<16xi32>
      %gather3A = tpu.vector_load_idx %arg5[%broadcast_in_dim3A] : memref<1280xi32, #tpu.memory_space<vmem>>[vector<16xi32>], vector<16xi32>,
      %bitcast3A_339 = vector.bitcast %gather3A : vector<16xi32> to vector<16xf32>
      %get3A_340 = arith.index_cast %add3A_336 : i32 to index
      %get3A_341 = arith.constant 0 : index
      %get3A_342 = tpu.vector_load %arg6[%get3A_340, %get3A_341] {strides = array<i32>} : memref<512x128xf32, #tpu.memory_space<vmem>>, vector<16xf32>,
      %get3A_343 = arith.index_cast %add3A_336 : i32 to index
      %get3A_344 = arith.constant 16 : index
      %get3A_345 = tpu.vector_load %arg6[%get3A_343, %get3A_344] {strides = array<i32>} : memref<512x128xf32, #tpu.memory_space<vmem>>, vector<16xf32>,
      %get3A_346 = arith.index_cast %add3A_336 : i32 to index
      %get3A_347 = arith.constant 32 : index
      %get3A_348 = tpu.vector_load %arg6[%get3A_346, %get3A_347] {strides = array<i32>} : memref<512x128xf32, #tpu.memory_space<vmem>>, vector<16xf32>,
      %get3A_349 = arith.index_cast %add3A_336 : i32 to index
      %get3A_350 = arith.constant 48 : index
      %get3A_351 = tpu.vector_load %arg6[%get3A_349, %get3A_350] {strides = array<i32>} : memref<512x128xf32, #tpu.memory_space<vmem>>, vector<16xf32>,
      %get3A_352 = arith.index_cast %add3A_336 : i32 to index
      %get3A_353 = arith.constant 64 : index
      %get3A_354 = tpu.vector_load %arg6[%get3A_352, %get3A_353] {strides = array<i32>} : memref<512x128xf32, #tpu.memory_space<vmem>>, vector<16xf32>,
      %get3A_355 = arith.index_cast %add3A_336 : i32 to index
      %get3A_356 = arith.constant 80 : index
      %get3A_357 = tpu.vector_load %arg6[%get3A_355, %get3A_356] {strides = array<i32>} : memref<512x128xf32, #tpu.memory_space<vmem>>, vector<16xf32>,
      %get3A_358 = arith.index_cast %add3A_336 : i32 to index
      %get3A_359 = arith.constant 96 : index
      %get3A_360 = tpu.vector_load %arg6[%get3A_358, %get3A_359] {strides = array<i32>} : memref<512x128xf32, #tpu.memory_space<vmem>>, vector<16xf32>,
      %get3A_361 = arith.index_cast %add3A_336 : i32 to index
      %get3A_362 = arith.constant 112 : index
      %get3A_363 = tpu.vector_load %arg6[%get3A_361, %get3A_362] {strides = array<i32>} : memref<512x128xf32, #tpu.memory_space<vmem>>, vector<16xf32>,
      %mul3A_364 = arith.mulf %bitcast3A_339, %bitcast3A : vector<16xf32>
      %add3A_365 = arith.addf %mul3A_364, %add3A_108 : vector<16xf32>
      %mul3A_366 = arith.mulf %get3A_342, %add3A_365 : vector<16xf32>
      %mul3A_367 = arith.mulf %bitcast3A_339, %bitcast3A_84 : vector<16xf32>
      %add3A_368 = arith.addf %mul3A_367, %add3A_114 : vector<16xf32>
      %mul3A_369 = arith.mulf %get3A_345, %add3A_368 : vector<16xf32>
      %mul3A_370 = arith.mulf %bitcast3A_339, %bitcast3A_87 : vector<16xf32>
      %add3A_371 = arith.addf %mul3A_370, %add3A_120 : vector<16xf32>
      %mul3A_372 = arith.mulf %get3A_348, %add3A_371 : vector<16xf32>
      %mul3A_373 = arith.mulf %bitcast3A_339, %bitcast3A_90 : vector<16xf32>
      %add3A_374 = arith.addf %mul3A_373, %add3A_126 : vector<16xf32>
      %mul3A_375 = arith.mulf %get3A_351, %add3A_374 : vector<16xf32>
      %mul3A_376 = arith.mulf %bitcast3A_339, %bitcast3A_93 : vector<16xf32>
      %add3A_377 = arith.addf %mul3A_376, %add3A_132 : vector<16xf32>
      %mul3A_378 = arith.mulf %get3A_354, %add3A_377 : vector<16xf32>
      %mul3A_379 = arith.mulf %bitcast3A_339, %bitcast3A_96 : vector<16xf32>
      %add3A_380 = arith.addf %mul3A_379, %add3A_138 : vector<16xf32>
      %mul3A_381 = arith.mulf %get3A_357, %add3A_380 : vector<16xf32>
      %mul3A_382 = arith.mulf %bitcast3A_339, %bitcast3A_99 : vector<16xf32>
      %add3A_383 = arith.addf %mul3A_382, %add3A_144 : vector<16xf32>
      %mul3A_384 = arith.mulf %get3A_360, %add3A_383 : vector<16xf32>
      %mul3A_385 = arith.mulf %bitcast3A_339, %bitcast3A_102 : vector<16xf32>
      %add3A_386 = arith.addf %mul3A_385, %add3A_150 : vector<16xf32>
      %mul3A_387 = arith.mulf %get3A_363, %add3A_386 : vector<16xf32>
      %swap3A = arith.index_cast %add3A_336 : i32 to index
      %swap3A_388 = arith.constant 0 : index
      %swap3A_389 = tpu.vector_load %arg6[%swap3A, %swap3A_388] {strides = array<i32>} : memref<512x128xf32, #tpu.memory_space<vmem>>, vector<16xf32>,
      tpu.vector_store %arg6[%swap3A, %swap3A_388], %mul3A_366 {strides = array<i32>} : memref<512x128xf32, #tpu.memory_space<vmem>>, vector<16xf32>,
      %swap3A_390 = arith.index_cast %add3A_336 : i32 to index
      %swap3A_391 = arith.constant 16 : index
      %swap3A_392 = tpu.vector_load %arg6[%swap3A_390, %swap3A_391] {strides = array<i32>} : memref<512x128xf32, #tpu.memory_space<vmem>>, vector<16xf32>,
      tpu.vector_store %arg6[%swap3A_390, %swap3A_391], %mul3A_369 {strides = array<i32>} : memref<512x128xf32, #tpu.memory_space<vmem>>, vector<16xf32>,
      %swap3A_393 = arith.index_cast %add3A_336 : i32 to index
      %swap3A_394 = arith.constant 32 : index
      %swap3A_395 = tpu.vector_load %arg6[%swap3A_393, %swap3A_394] {strides = array<i32>} : memref<512x128xf32, #tpu.memory_space<vmem>>, vector<16xf32>,
      tpu.vector_store %arg6[%swap3A_393, %swap3A_394], %mul3A_372 {strides = array<i32>} : memref<512x128xf32, #tpu.memory_space<vmem>>, vector<16xf32>,
      %swap3A_396 = arith.index_cast %add3A_336 : i32 to index
      %swap3A_397 = arith.constant 48 : index
      %swap3A_398 = tpu.vector_load %arg6[%swap3A_396, %swap3A_397] {strides = array<i32>} : memref<512x128xf32, #tpu.memory_space<vmem>>, vector<16xf32>,
      tpu.vector_store %arg6[%swap3A_396, %swap3A_397], %mul3A_375 {strides = array<i32>} : memref<512x128xf32, #tpu.memory_space<vmem>>, vector<16xf32>,
      %swap3A_399 = arith.index_cast %add3A_336 : i32 to index
      %swap3A_400 = arith.constant 64 : index
      %swap3A_401 = tpu.vector_load %arg6[%swap3A_399, %swap3A_400] {strides = array<i32>} : memref<512x128xf32, #tpu.memory_space<vmem>>, vector<16xf32>,
      tpu.vector_store %arg6[%swap3A_399, %swap3A_400], %mul3A_378 {strides = array<i32>} : memref<512x128xf32, #tpu.memory_space<vmem>>, vector<16xf32>,
      %swap3A_402 = arith.index_cast %add3A_336 : i32 to index
      %swap3A_403 = arith.constant 80 : index
      %swap3A_404 = tpu.vector_load %arg6[%swap3A_402, %swap3A_403] {strides = array<i32>} : memref<512x128xf32, #tpu.memory_space<vmem>>, vector<16xf32>,
      tpu.vector_store %arg6[%swap3A_402, %swap3A_403], %mul3A_381 {strides = array<i32>} : memref<512x128xf32, #tpu.memory_space<vmem>>, vector<16xf32>,
      %swap3A_405 = arith.index_cast %add3A_336 : i32 to index
      %swap3A_406 = arith.constant 96 : index
      %swap3A_407 = tpu.vector_load %arg6[%swap3A_405, %swap3A_406] {strides = array<i32>} : memref<512x128xf32, #tpu.memory_space<vmem>>, vector<16xf32>,
      tpu.vector_store %arg6[%swap3A_405, %swap3A_406], %mul3A_384 {strides = array<i32>} : memref<512x128xf32, #tpu.memory_space<vmem>>, vector<16xf32>,
      %swap3A_408 = arith.index_cast %add3A_336 : i32 to index
      %swap3A_409 = arith.constant 112 : index
      %swap3A_410 = tpu.vector_load %arg6[%swap3A_408, %swap3A_409] {strides = array<i32>} : memref<512x128xf32, #tpu.memory_space<vmem>>, vector<16xf32>,
      tpu.vector_store %arg6[%swap3A_408, %swap3A_409], %mul3A_387 {strides = array<i32>} : memref<512x128xf32, #tpu.memory_space<vmem>>, vector<16xf32>,
    }
    %scan3A_267 = arith.constant 32 : i32
    %add3A_268 = arith.constant 480 : i32
    %add3A_269 = arith.addi %mul3A_2, %add3A_268 : i32
    %dma_start3A_270 = arith.constant 480 : i32
    %dma_start3A_271 = arith.constant 0 : i32
    %dma_start3A_272 = tpu.memref_slice %arg6[%dma_start3A_270, %dma_start3A_271] : memref<512x128xf32, #tpu.memory_space<vmem>> -> memref<32x128xf32, #tpu.memory_space<vmem>>
    %dma_start3A_273 = arith.constant 0 : i32
    %dma_start3A_274 = tpu.memref_slice %arg4[%add3A_269, %dma_start3A_273] : memref<16384x128xf32, #tpu.memory_space<hbm>> -> memref<32x128xf32, #tpu.memory_space<hbm>>
    %dma_start3A_275 = arith.constant 0 : i32
    %dma_start3A_276 = tpu.memref_slice %arg4[%add3A_269, %dma_start3A_275] : memref<16384x128xf32, #tpu.memory_space<hbm>> -> memref<32x128xf32, #tpu.memory_space<hbm>>
    %dma_start3A_277 = arith.constant 480 : i32
    %dma_start3A_278 = arith.constant 0 : i32
    %dma_start3A_279 = tpu.memref_slice %arg6[%dma_start3A_277, %dma_start3A_278] : memref<512x128xf32, #tpu.memory_space<vmem>> -> memref<32x128xf32, #tpu.memory_space<vmem>>
    tpu.enqueue_dma source(%dma_start3A_279 : memref<32x128xf32, #tpu.memory_space<vmem>>) target(%dma_start3A_276 : memref<32x128xf32, #tpu.memory_space<hbm>>) target_semaphore(%arg14 : memref<!tpu.dma_semaphore, #tpu.memory_space<semaphore_mem>>)
    %dma_wait3A_280 = arith.constant 0 : i32
    %dma_wait3A_281 = arith.constant 0 : i32
    %dma_wait3A_282 = tpu.memref_slice %arg6[%dma_wait3A_280, %dma_wait3A_281] : memref<512x128xf32, #tpu.memory_space<vmem>> -> memref<128x128xf32, #tpu.memory_space<vmem>>
    %dma_wait3A_283 = arith.constant 0 : i32
    %dma_wait3A_284 = tpu.memref_slice %arg4[%add3A_165, %dma_wait3A_283] : memref<16384x128xf32, #tpu.memory_space<hbm>> -> memref<128x128xf32, #tpu.memory_space<hbm>>
    %dma_wait3A_285 = arith.constant 0 : i32
    %dma_wait3A_286 = tpu.memref_slice %arg4[%add3A_165, %dma_wait3A_285] : memref<16384x128xf32, #tpu.memory_space<hbm>> -> memref<128x128xf32, #tpu.memory_space<hbm>>
    %dma_wait3A_287 = arith.constant 0 : i32
    %dma_wait3A_288 = arith.constant 0 : i32
    %dma_wait3A_289 = tpu.memref_slice %arg6[%dma_wait3A_287, %dma_wait3A_288] : memref<512x128xf32, #tpu.memory_space<vmem>> -> memref<128x128xf32, #tpu.memory_space<vmem>>
    tpu.wait_dma2 semaphore(%arg14 : memref<!tpu.dma_semaphore, #tpu.memory_space<semaphore_mem>>) src(%dma_wait3A_289 : memref<128x128xf32, #tpu.memory_space<vmem>>) dst(%dma_wait3A_286 : memref<128x128xf32, #tpu.memory_space<hbm>>)
    %dma_wait3A_290 = arith.constant 128 : i32
    %dma_wait3A_291 = arith.constant 0 : i32
    %dma_wait3A_292 = tpu.memref_slice %arg6[%dma_wait3A_290, %dma_wait3A_291] : memref<512x128xf32, #tpu.memory_space<vmem>> -> memref<128x128xf32, #tpu.memory_space<vmem>>
    %dma_wait3A_293 = arith.constant 0 : i32
    %dma_wait3A_294 = tpu.memref_slice %arg4[%add3A_191, %dma_wait3A_293] : memref<16384x128xf32, #tpu.memory_space<hbm>> -> memref<128x128xf32, #tpu.memory_space<hbm>>
    %dma_wait3A_295 = arith.constant 0 : i32
    %dma_wait3A_296 = tpu.memref_slice %arg4[%add3A_191, %dma_wait3A_295] : memref<16384x128xf32, #tpu.memory_space<hbm>> -> memref<128x128xf32, #tpu.memory_space<hbm>>
    %dma_wait3A_297 = arith.constant 128 : i32
    %dma_wait3A_298 = arith.constant 0 : i32
    %dma_wait3A_299 = tpu.memref_slice %arg6[%dma_wait3A_297, %dma_wait3A_298] : memref<512x128xf32, #tpu.memory_space<vmem>> -> memref<128x128xf32, #tpu.memory_space<vmem>>
    tpu.wait_dma2 semaphore(%arg14 : memref<!tpu.dma_semaphore, #tpu.memory_space<semaphore_mem>>) src(%dma_wait3A_299 : memref<128x128xf32, #tpu.memory_space<vmem>>) dst(%dma_wait3A_296 : memref<128x128xf32, #tpu.memory_space<hbm>>)
    %dma_wait3A_300 = arith.constant 256 : i32
    %dma_wait3A_301 = arith.constant 0 : i32
    %dma_wait3A_302 = tpu.memref_slice %arg6[%dma_wait3A_300, %dma_wait3A_301] : memref<512x128xf32, #tpu.memory_space<vmem>> -> memref<128x128xf32, #tpu.memory_space<vmem>>
    %dma_wait3A_303 = arith.constant 0 : i32
    %dma_wait3A_304 = tpu.memref_slice %arg4[%add3A_217, %dma_wait3A_303] : memref<16384x128xf32, #tpu.memory_space<hbm>> -> memref<128x128xf32, #tpu.memory_space<hbm>>
    %dma_wait3A_305 = arith.constant 0 : i32
    %dma_wait3A_306 = tpu.memref_slice %arg4[%add3A_217, %dma_wait3A_305] : memref<16384x128xf32, #tpu.memory_space<hbm>> -> memref<128x128xf32, #tpu.memory_space<hbm>>
    %dma_wait3A_307 = arith.constant 256 : i32
    %dma_wait3A_308 = arith.constant 0 : i32
    %dma_wait3A_309 = tpu.memref_slice %arg6[%dma_wait3A_307, %dma_wait3A_308] : memref<512x128xf32, #tpu.memory_space<vmem>> -> memref<128x128xf32, #tpu.memory_space<vmem>>
    tpu.wait_dma2 semaphore(%arg14 : memref<!tpu.dma_semaphore, #tpu.memory_space<semaphore_mem>>) src(%dma_wait3A_309 : memref<128x128xf32, #tpu.memory_space<vmem>>) dst(%dma_wait3A_306 : memref<128x128xf32, #tpu.memory_space<hbm>>)
    %dma_wait3A_310 = arith.constant 384 : i32
    %dma_wait3A_311 = arith.constant 0 : i32
    %dma_wait3A_312 = tpu.memref_slice %arg6[%dma_wait3A_310, %dma_wait3A_311] : memref<512x128xf32, #tpu.memory_space<vmem>> -> memref<96x128xf32, #tpu.memory_space<vmem>>
    %dma_wait3A_313 = arith.constant 0 : i32
    %dma_wait3A_314 = tpu.memref_slice %arg4[%add3A_243, %dma_wait3A_313] : memref<16384x128xf32, #tpu.memory_space<hbm>> -> memref<96x128xf32, #tpu.memory_space<hbm>>
    %dma_wait3A_315 = arith.constant 0 : i32
    %dma_wait3A_316 = tpu.memref_slice %arg4[%add3A_243, %dma_wait3A_315] : memref<16384x128xf32, #tpu.memory_space<hbm>> -> memref<96x128xf32, #tpu.memory_space<hbm>>
    %dma_wait3A_317 = arith.constant 384 : i32
    %dma_wait3A_318 = arith.constant 0 : i32
    %dma_wait3A_319 = tpu.memref_slice %arg6[%dma_wait3A_317, %dma_wait3A_318] : memref<512x128xf32, #tpu.memory_space<vmem>> -> memref<96x128xf32, #tpu.memory_space<vmem>>
    tpu.wait_dma2 semaphore(%arg14 : memref<!tpu.dma_semaphore, #tpu.memory_space<semaphore_mem>>) src(%dma_wait3A_319 : memref<96x128xf32, #tpu.memory_space<vmem>>) dst(%dma_wait3A_316 : memref<96x128xf32, #tpu.memory_space<hbm>>)
    %dma_wait3A_320 = arith.constant 480 : i32
    %dma_wait3A_321 = arith.constant 0 : i32
    %dma_wait3A_322 = tpu.memref_slice %arg6[%dma_wait3A_320, %dma_wait3A_321] : memref<512x128xf32, #tpu.memory_space<vmem>> -> memref<32x128xf32, #tpu.memory_space<vmem>>
    %dma_wait3A_323 = arith.constant 0 : i32
    %dma_wait3A_324 = tpu.memref_slice %arg4[%add3A_269, %dma_wait3A_323] : memref<16384x128xf32, #tpu.memory_space<hbm>> -> memref<32x128xf32, #tpu.memory_space<hbm>>
    %dma_wait3A_325 = arith.constant 0 : i32
    %dma_wait3A_326 = tpu.memref_slice %arg4[%add3A_269, %dma_wait3A_325] : memref<16384x128xf32, #tpu.memory_space<hbm>> -> memref<32x128xf32, #tpu.memory_space<hbm>>
    %dma_wait3A_327 = arith.constant 480 : i32
    %dma_wait3A_328 = arith.constant 0 : i32
    %dma_wait3A_329 = tpu.memref_slice %arg6[%dma_wait3A_327, %dma_wait3A_328] : memref<512x128xf32, #tpu.memory_space<vmem>> -> memref<32x128xf32, #tpu.memory_space<vmem>>
    tpu.wait_dma2 semaphore(%arg14 : memref<!tpu.dma_semaphore, #tpu.memory_space<semaphore_mem>>) src(%dma_wait3A_329 : memref<32x128xf32, #tpu.memory_space<vmem>>) dst(%dma_wait3A_326 : memref<32x128xf32, #tpu.memory_space<hbm>>)
    return
  }
}

</mosaic_0001>

<sc_bundles>
// kernel: kernel.3.cloned.1.call-start
scs
__scs_entry_jumppad:
0x0: {  	(pc) =	sbr.rel $0x88, $3  }
0x1: {  	(tag) =	ssettag $0x0;
	lr =	simm.s32 $0x1  }
0x2: {  	[smem:$0x3F9C] =	sst lr;
	_ =	strace $0xD0000000  }
0x3: {  	_ = 	snop  }
0x4: {  	_ = 	snop  }
0x5: {  	_ = 	snop  }
0x6: {  	_ = 	snop  }
0x7: {  	_ = 	snop  }
__scs_overlays_trampoline_lowered:
0x8: {  	[smem:$0x3FAB] =	sst s0  }
0x9: {  	[smem:$0x3FAC] =	sst s1  }
0xa: {  	[smem:$0x3FAD] =	sst s2  }
0xb: {  	[smem:$0x3FAE] =	sst s3  }
0xc: {  	[smem:$0x3FAF] =	sst s4  }
0xd: {  	[smem:$0x3FB0] =	sst s5  }
0xe: {  	[smem:$0x3FB1] =	sst s6  }
0xf: {  	[smem:$0x3FB2] =	sst s7  }
0x10: {  	[smem:$0x3FB3] =	sst s8  }
0x11: {  	[smem:$0x3FB4] =	sst s9;
	s0 =	simm.s32 @!p0 $0x0  }
0x12: {  	s1 =	sld [smem:$0x3F9A];
	s0 =	simm.s32 @p0 $0x1  }
0x13: {  	[smem:$0x3FB5] =	sst s0;
	s0 =	simm.s32 @!p1 $0x0  }
0x14: {  	s2 =	sld [smem:$0x3F99];
	s0 =	simm.s32 @p1 $0x1  }
0x15: {  	[smem:$0x3FB6] =	sst s0;
	s0 =	simm.s32 @!p2 $0x0  }
0x16: {  	s3 =	sld [smem:$0x3FDB];
	s0 =	simm.s32 @p2 $0x1  }
0x17: {  	s4 =	simm.s32 $0x1BF5;
	[smem:$0x3FB8] =	sst s0  }
0x18: {  	s0 =	sld [smem:$0x3F9B];
	_ =	swait.ge [sflag:s4], $0x0  }
0x19: {  	s7 =	sld [smem:$0x3F9C]  }
0x1a: {  	s8 =	sadd.s32 $0xFFFFE003, lr  }
0x1b: {  	s9 =	sadd.s32 $0xFFFFFEF7, lr;
	s5 =	simm.s32 $0xFFFFFFFF;
	p2 =	slt.u32 s8, $0xFFFFF086  }
0x1c: {  	p1 =	slt.u32 s9, $0xF7A;
	s5 =	simm.s32 @!p2 $0x0  }
0x1d: {  	s5 =	simm.s32 @p1 $0x1;
	p0 =	seq.s32 s7, s2  }
0x1e: {  	s7 =	smul.u32 @!p0 $0xF7A, s2;
	p2 =	seq.s32 @!p0 s5, $0x0  }
0x1f: {  	s9 =	smul.u32 $0xF7A, s1;
	s8 =	simm.s32 @!p0 $0x1BF5;
	p2 =	por !p2, p0  }
0x20: {  	[sflag:s8] =	ssyncset.s32 @!p0 $0xFFFFF086;
	s6 =	sadd.s32 @!p0 s3, s7;
	s7 =	simm.s32 @!p0 $0x108  }
0x21: {  	s3 =	sadd.s32 s3, s9;
	s6 =	sadd.s32 @!p0 $0x88, s6;
	s7 =	simm.s32 @p2 $0x1082  }
0x22: {  	[simem:s7], [sflag:s8] =	dma.local @!p0 [hbm:s6], $0xF7A  }
0x23: {  	s9 =	sor.u32 $0xD0000000, s2;
	s6 =	simm.s32 $0x108;
	_ =	swait.ge @!p0 [sflag:s8], $0x0  }
0x24: {  	s3 =	sadd.s32 $0x88, s3;
	s6 =	simm.s32 @!p1 $0x1082;
	[sflag:s4] =	ssyncset.s32 $0xFFFFF086  }
0x25: {  	[simem:s6], [sflag:s4] =	dma.local [hbm:s3], $0xF7A  }
0x26: {  	[smem:$0x3F9C] =	sst s1;
	(tag) =	ssettag s2;
	_ =	strace s9  }
0x27: {  	s1 =	sld [smem:$0x3FAC]  }
0x28: {  	s2 =	sld [smem:$0x3FAD]  }
0x29: {  	s4 =	sld [smem:$0x3FAF]  }
0x2a: {  	p0 =	seq.s32 s5, $0x0;
	s5 =	sld [smem:$0x3FB0]  }
0x2b: {  	s6 =	sld [smem:$0x3FB1]  }
0x2c: {  	s7 =	sld [smem:$0x3FB2]  }
0x2d: {  	s3 =	simm.s32 $0x108;
	s8 =	sld [smem:$0x3FB3]  }
0x2e: {  	s3 =	simm.s32 @!p0 $0x1082;
	s9 =	sld [smem:$0x3FB4]  }
0x2f: {  	lr =	sadd.s32 s0, s3;
	s0 =	sld [smem:$0x3FAB]  }
0x30: {  	s3 =	sld [smem:$0x3FAE]  }
0x31: {  	[smem:$0x3FB7] =	sst s10  }
0x32: {  	s10 =	sld [smem:$0x3FB5];
	_ =	sdelay $0x3  }
0x33: {  	p0 =	seq.s32 s10, $0x1;
	s10 =	sld [smem:$0x3FB7];
	_ =	sdelay $0x3  }
0x34: {  	[smem:$0x3FB7] =	sst s10  }
0x35: {  	s10 =	sld [smem:$0x3FB6];
	_ =	sdelay $0x3  }
0x36: {  	p1 =	seq.s32 s10, $0x1;
	s10 =	sld [smem:$0x3FB7];
	_ =	sdelay $0x3  }
0x37: {  	[smem:$0x3FB7] =	sst s10  }
0x38: {  	s10 =	sld [smem:$0x3FB8]  }
0x39: {  	_ = 	snop;
	(pc) =	sbr.ind lr, $3  }
0x3a: {  	_ = 	snop  }
0x3b: {  	_ = 	snop  }
0x3c: {  	p2 =	seq.s32 s10, $0x1;
	s10 =	sld [smem:$0x3FB7]  }
0x3d: {  	_ =	shalt  }
0x3e: {  	_ =	shalt  }
0x3f: {  	_ =	shalt  }
0x40: {  	_ =	shalt  }
0x41: {  	_ =	shalt  }
0x42: {  	_ =	shalt  }
0x43: {  	_ =	shalt  }
0x44: {  	_ =	shalt  }
0x45: {  	_ =	shalt  }
0x46: {  	_ =	shalt  }
0x47: {  	_ =	shalt  }
0x48: {  	_ =	shalt  }
0x49: {  	_ =	shalt  }
0x4a: {  	_ =	shalt  }
0x4b: {  	_ =	shalt  }
0x4c: {  	_ =	shalt  }
0x4d: {  	_ =	shalt  }
0x4e: {  	_ =	shalt  }
0x4f: {  	_ =	shalt  }
0x50: {  	_ =	shalt  }
0x51: {  	_ =	shalt  }
0x52: {  	_ =	shalt  }
0x53: {  	_ =	shalt  }
0x54: {  	_ =	shalt  }
0x55: {  	_ =	shalt  }
0x56: {  	_ =	shalt  }
0x57: {  	_ =	shalt  }
0x58: {  	_ =	shalt  }
0x59: {  	_ =	shalt  }
0x5a: {  	_ =	shalt  }
0x5b: {  	_ =	shalt  }
0x5c: {  	_ =	shalt  }
0x5d: {  	_ =	shalt  }
0x5e: {  	_ =	shalt  }
0x5f: {  	_ =	shalt  }
0x60: {  	_ =	shalt  }
0x61: {  	_ =	shalt  }
0x62: {  	_ =	shalt  }
0x63: {  	_ =	shalt  }
0x64: {  	_ =	shalt  }
0x65: {  	_ =	shalt  }
0x66: {  	_ =	shalt  }
0x67: {  	_ =	shalt  }
0x68: {  	_ =	shalt  }
0x69: {  	_ =	shalt  }
0x6a: {  	_ =	shalt  }
0x6b: {  	_ =	shalt  }
0x6c: {  	_ =	shalt  }
0x6d: {  	_ =	shalt  }
0x6e: {  	_ =	shalt  }
0x6f: {  	_ =	shalt  }
0x70: {  	_ =	shalt  }
0x71: {  	_ =	shalt  }
0x72: {  	_ =	shalt  }
0x73: {  	_ =	shalt  }
0x74: {  	_ =	shalt  }
0x75: {  	_ =	shalt  }
0x76: {  	_ =	shalt  }
0x77: {  	_ =	shalt  }
0x78: {  	_ =	shalt  }
0x79: {  	_ =	shalt  }
0x7a: {  	_ =	shalt  }
0x7b: {  	_ =	shalt  }
0x7c: {  	_ =	shalt  }
0x7d: {  	_ =	shalt  }
0x7e: {  	_ =	shalt  }
0x7f: {  	_ =	shalt  }
0x80: {  	_ =	shalt  }
0x81: {  	_ =	shalt  }
0x82: {  	_ =	shalt  }
0x83: {  	_ =	shalt  }
0x84: {  	_ =	shalt  }
0x85: {  	_ =	shalt  }
0x86: {  	_ =	shalt  }
0x87: {  	_ =	shalt  }
.Lfunc_end0:
.L_simem_size_0:
called_computation_lowered:
.L_overlay_start_0:
0x88: {  	s2 =	sld [smem:$0x3FD9]  }
0x89: {  	s3 =	sld [smem:$0x3FFE];
	_ =	sdelay $0x1  }
0x8a: {  	s1 =	srdreg.scid  }
0x8b: {  	s0 =	sand.u32 $0x1, s1  }
0x8c: {  	s17 =	sshll.u32 s0, $0xA;
	s2 =	sadd.s32 s3, s2  }
0x8d: {  	s2 =	sadd.s32 s2, s17  }
0x8e: {  	[smem:$0x3FC3] =	sst s2  }
0x8f: {  	_ = 	snop  }
0x90: {  	s2 =	sld [smem:$0x3FC9]  }
0x91: {  	s18 =	sld [smem:$0x3FD0];
	(tm) =	ssettm $0x1  }
0x92: {  	s4 =	sld [smem:$0x3FFB];
	_ =	sdelay $0x3  }
0x93: {  	_ =	strace s4  }
0x94: {  	s4 =	sld [smem:$0x3FFC];
	_ =	sdelay $0x3  }
0x95: {  	_ =	strace s4  }
0x96: {  	s4 =	sld [smem:$0x3FFD];
	_ =	sdelay $0x3  }
0x97: {  	_ =	strace s4  }
0x98: {  	_ =	strace $0x8FFFFFFF  }
0x99: {  	s19 =	sld [smem:$0x3FDB];
	_ =	sdelay $0x1  }
0x9a: {  	s5 =	simm.s32 $_scs_section_size  }
0x9b: {  	s6 =	simm.s32 $_size__tile_overlayer_lowered;
	s7 =	simm.s32 $_tile_overlayer_lowered  }
0x9c: {  	s22 =	simm.s32 $0x1BFF;
	s21 =	sshll.u32 s7, $0x1;
	s4 =	sadd.s32 s5, s19  }
0x9d: {  	s8 =	simm.s32 $0x0;
	s20 =	sshll.u32 s6, $0x1;
	s6 =	sadd.s32 s21, s4  }
0x9e: {  	[timem:s8], [sflag:s22] =	dma.local [hbm:s6], s20  }
0x9f: {  	_ =	swait.ge [sflag:s22], s20  }
0xa0: {  	s5 =	ssub.s32 $0x0, s20;
	[sflag:s22] =	ssyncset.done $0x0  }
0xa1: {  	[sflag:s22] =	ssyncadd.s32 s5;
	_ =	sdelay $0x1  }
0xa2: {  	s23 =	simm.s32 $0x1B8B  }
0xa3: {  	_ =	swait.ge [sflag:s23], $0x1  }
0xa4: {  	[sflag:s23] =	ssyncset.done $0x0  }
0xa5: {  	s25 =	simm.s32 $0x1B8E;
	s24 =	sld [smem:$0x3FFE];
	[sflag:s23] =	ssyncadd.s32 $0xFFFFFFFF  }
0xa6: {  	s26 =	simm.s32 $execute0_lowered;
	[smem:$0x3FD2] =	sst s25  }
0xa7: {  	s6 =	sshll.u32 s26, $0x1;
	_ =	strace $0x80000046;
	[dreg:$0x1] =	wrdreg $0xFFFFFFFF  }
0xa8: {  	s28 =	simm.s32 $_size_execute0_lowered;
	s4 =	sadd.s32 s4, s6;
	[dreg:$0x0] =	wrdreg $0x0  }
0xa9: {  	s6 =	sshll.u32 s28, $0x1;
	[dreg:$0x2] =	wrdreg s4  }
0xaa: {  	[dreg:$0x3] =	wrdreg s6  }
0xab: {  	[dreg:$0x4] =	wrdreg $0xC0  }
0xac: {  	_ =	task [dreg:s8], $0x5FFFF  }
0xad: {  	[dreg:$0x1] =	wrdreg $0xFFFFFFFF  }
0xae: {  	[dreg:$0x0] =	wrdreg $0x60  }
0xaf: {  	[dreg:$0x2] =	wrdreg s2  }
0xb0: {  	[dreg:$0x3] =	wrdreg s24  }
0xb1: {  	[dreg:$0x4] =	wrdreg s18  }
0xb2: {  	[dreg:$0x5] =	wrdreg $0x9  }
0xb3: {  	_ =	task.clear_ibuf [dreg:s8], $0x6FFFF;
	_ =	strace $0x90000046  }
0xb4: {  	s29 =	simm.s32 $0x9;
	_ =	strace $0x80000048  }
0xb5: {  	_ =	swait.ge [sflag:s29], $0x1  }
0xb6: {  	[sflag:s29] =	ssyncadd.s32 $0xFFFFFFFF  }
0xb7: {  	_ =	strace $0x90000048  }
0xb8: {  	_ =	sfence  }
0xb9: {  	s30 =	sld [smem:$0x0];
	_ =	sdelay $0x2  }
0xba: {  	s31 =	sshll.u32 s1, $0xD;
	s1 =	sshrl.u32 s1, $0x2  }
0xbb: {  	s3 =	sand.u32 $0x4000, s31;
	s1 =	sadd.s32 s1, s30  }
0xbc: {  	s0 =	sor.u32 s3, s0;
	s1 =	sshll.u32 s1, $0x11  }
0xbd: {  	s0 =	sor.u32 s1, s0  }
0xbe: {  	s0 =	sadd.s32 $0x8F2B, s0  }
0xbf: {  	[sflag:s0] =	ssyncadd.remote.s32 $0x1  }
0xc0: {  	_ =	sfence.sel $0xFFFF  }
0xc1: {  	[dreg:$0x0] =	wrdreg $0xFFFFFFFF;
	(pc) =	sbr.abs _section_cstart, $3  }
0xc2: {  	[dreg:$0x1] =	wrdreg $0xFFFFFFFF  }
0xc3: {  	_ =	task.clear_ibuf [dreg:s8], $0x2FFFF;
	_ =	strace $0x9FFFFFFF  }
0xc4: {  	(tm) =	ssettm $0x7FFFFFFF  }
0xc5: {  	_ =	shalt  }
tec
execute0_lowered:
.L_overlay_start_1:
0x0: {  	(tag) =	ssettag $0x1  }
0x1: {  	s1 =	rddreg [dreg:$0x0]  }
0x2: {  	s0 =	srdreg.scid;
	s4 =	rddreg [dreg:$0x1]  }
0x3: {  	s3 =	stileid.u32;
	s5 =	rddreg [dreg:$0x2]  }
0x4: {  	s13 =	simm.s32 $0x80;
	s14 =	simm.s32 $0x1;
	s15 =	simm.s32 $0x500  }
0x5: {  	s16 =	simm.s32 $0x2;
	s17 =	simm.s32 $0x4500;
	s19 =	simm.s32 $0x8500  }
0x6: {  	s22 =	simm.s32 $0xC500;
	s23 =	simm.s32 $0x20;
	s24 =	simm.s32 $0x1E0  }
0x7: {  	s25 =	simm.s32 $0xF500;
	s28 =	simm.s32 $0x4;
	s29 =	simm.s32 $0x5  }
0x8: {  	s30 =	simm.s32 $0x6;
	s0 =	sand.u32 $0x1, s0;
	s2 =	sshll.u32 s3, $0x1  }
0x9: {  	s31 =	simm.s32 $0x7;
	s3 =	sshrl.u32 s3, $0x2;
	s2 =	sor.u32 s0, s2  }
0xa: {  	s6 =	smul.u32 $0x2800, s3;
	s3 =	simm.s32 $0x0;
	s0 =	ssub.s32 $0x2, s0  }
0xb: {  	s7 =	sshll.u32 s2, $0x7;
	[smem:$0x7FF] =	sst s3;
	s26 =	sshrl.u32 s0, $0x1  }
0xc: {  	s2 =	sshll.u32 s2, $0xD;
	s7 =	sand.u32 $0x380, s7;
	_ =	strace $0x80000047  }
0xd: {  	s0 =	ssub.s32 s0, s26;
	s5 =	sadd.s32 s5, s2;
	s26 =	simm.s32 $0x3  }
0xe: {  	s2 =	simm.s32 $0x8;
	s6 =	sor.u32 s6, s7;
	s7 =	sadd.s32 $0x800, s5  }
0xf: {  	s8 =	sadd.s32 $0x1000, s5;
	s9 =	sadd.s32 $0x1800, s5;
	s6 =	sshrl.u32 s6, $0x3  }
0x10: {  	s10 =	sadd.s32 $0x1E00, s5;
	s11 =	smax.u32 s0, $0x1;
	s6 =	sadd.s32 s6, s4  }
0x11: {  	s0 =	simm.s32 $0x0;
	s4 =	sadd.s32 $0x400, s6;
	s6 =	sadd.s32 $0x480, s6  }
.LBB2_1:
0x12: {  	[tilespmem:s3], [sflag:$0x1] =	stream.linear.gather [hbm4b:s4+s3], $0x80, $0x38;
	[tilespmem:$0x10500] =	vst v63  }
0x13: {  	s12 =	simm.s32 $0x400  }
0x14: {  	[tilespmem:s13], [sflag:$0x2] =	stream.strided.gather [hbm4b:s6+s13], $0x480, s12, s13, $0x38;
	[tilespmem:$0x10500] =	vst v63  }
0x15: {  	_ =	swait.ge [sflag:s14], $0x80  }
0x16: {  	[sflag:s14] =	ssyncset.done $0x0  }
0x17: {  	[sflag:s14] =	ssyncadd.s32 $0xFFFFFF80  }
0x18: {  	[tilespmem:s15], [sflag:$0x3] =	stream.indirect.gather [hbm4b:s1+s13], $0x80, s3, s13, $0xb8;
	[tilespmem:$0x10500] =	vst v63  }
0x19: {  	_ =	swait.ge [sflag:s16], $0x480  }
0x1a: {  	[sflag:s16] =	ssyncset.done $0x0  }
0x1b: {  	[sflag:s16] =	ssyncadd.s32 $0xFFFFFB80  }
0x1c: {  	[tilespmem:s17], [sflag:$0x4] =	stream.indirect.gather [hbm4b:s1+s13], $0x80, s13, s13, $0xb8;
	[tilespmem:$0x10500] =	vst v63  }
0x1d: {  	s20 =	simm.s32 $0x100  }
0x1e: {  	[tilespmem:s19], [sflag:$0x5] =	stream.indirect.gather [hbm4b:s1+s13], $0x80, s20, s13, $0xb8;
	[tilespmem:$0x10500] =	vst v63  }
0x1f: {  	s21 =	simm.s32 $0x60;
	s18 =	simm.s32 $0x180  }
0x20: {  	[tilespmem:s22], [sflag:$0x6] =	stream.indirect.gather [hbm4b:s1+s21], $0x80, s18, s21, $0xb8;
	[tilespmem:$0x10500] =	vst v63  }
0x21: {  	_ = 	snop  }
0x22: {  	[tilespmem:s25], [sflag:$0x7] =	stream.indirect.gather [hbm4b:s1+s23], $0x80, s24, s23, $0xb8;
	[tilespmem:$0x10500] =	vst v63  }
0x23: {  	v7 =	vld [tilespmem:$0x400]  }
0x24: {  	v6 =	vld [tilespmem:$0x410]  }
0x25: {  	v5 =	vld [tilespmem:$0x420]  }
0x26: {  	v4 =	vld [tilespmem:$0x430]  }
0x27: {  	v3 =	vld [tilespmem:$0x440]  }
0x28: {  	v2 =	vld [tilespmem:$0x450]  }
0x29: {  	v1 =	vld [tilespmem:$0x460]  }
0x2a: {  	v0 =	vld [tilespmem:$0x470]  }
0x2b: {  	v8 =	vld [tilespmem:$0x480]  }
0x2c: {  	v9 =	vld [tilespmem:$0x490]  }
0x2d: {  	v10 =	vld [tilespmem:$0x4A0]  }
0x2e: {  	v14 =	vld [tilespmem:$0x4B0]  }
0x2f: {  	s20 =	simm.s32 $0x200;
	v15 =	vld [tilespmem:$0x4C0]  }
0x30: {  	v11 =	vmov s20;
	v16 =	vld [tilespmem:$0x4D0]  }
0x31: {  	v17 =	vld [tilespmem:$0x4E0]  }
0x32: {  	v18 =	vld [tilespmem:$0x4F0];
	_ =	swait.ge [sflag:s26], $0x4000  }
0x33: {  	[sflag:s26] =	ssyncset.done $0x0  }
0x34: {  	[sflag:s26] =	ssyncadd.s32 $0xFFFFC000  }
0x35: {  	v19 =	vld.idx.msk [tilespmem:v11+s3+$0x0], $0xffff;
	_ =	sdelay $0x2  }
0x36: {  	s12 =	simm.s32 $0x540  }
0x37: {  	v21 =	vld [tilespmem:s12+$0xFFFFFFC0];
	v13 =	vadd.f32 $1.000000000e+00, v8  }
0x38: {  	v22 =	vld [tilespmem:s12+$0xFFFFFFD0];
	v11 =	vadd.f32 $1.000000000e+00, v10;
	v10 =	vadd.f32 $1.000000000e+00, v14;
	v14 =	vmul.f32 v19, v7  }
0x39: {  	v20 =	vld [tilespmem:s12+$0xFFFFFFF0];
	v12 =	vadd.f32 $1.000000000e+00, v9;
	v9 =	vadd.f32 $1.000000000e+00, v15;
	v23 =	vmul.f32 v19, v6  }
0x3a: {  	v15 =	vld [tilespmem:s12+$0xFFFFFFE0];
	v8 =	vadd.f32 $1.000000000e+00, v16;
	v16 =	vmul.f32 v19, v4;
	v14 =	vadd.f32 v14, v13  }
0x3b: {  	v24 =	vmul.f32 v19, v5;
	v23 =	vadd.f32 v23, v12  }
0x3c: {  	v25 =	vld [tilespmem:s12+$0x0];
	v27 =	vmul.f32 v19, v3;
	v16 =	vadd.f32 v16, v10;
	v21 =	vmul.f32 v14, v21  }
0x3d: {  	v26 =	vld [tilespmem:s12+$0x10];
	v24 =	vadd.f32 v24, v11;
	v14 =	vadd.f32 $1.000000000e+00, v17;
	v17 =	vmul.f32 v23, v22  }
0x3e: {  	v28 =	vmul.f32 v19, v2;
	v62 =	vmul.f32 v20, v16;
	v16 =	vld [tilespmem:s12+$0x20];
	[tilespmem:s12+$0xFFFFFFC0] =	vst v21  }
0x3f: {  	v22 =	vadd.f32 v27, v9;
	v23 =	vmul.f32 v24, v15;
	v21 =	vmul.f32 v19, v1;
	[tilespmem:s12+$0xFFFFFFD0] =	vst v17;
	v17 =	vld [tilespmem:s12+$0x30]  }
0x40: {  	v63 =	vmul.f32 v19, v0;
	v20 =	vadd.f32 v28, v8;
	v15 =	vadd.f32 $1.000000000e+00, v18  }
0x41: {  	s21 =	simm.s32 $0x201;
	v18 =	vmul.f32 v25, v22;
	[tilespmem:s12+$0xFFFFFFE0] =	vst v23;
	v21 =	vadd.f32 v21, v14  }
0x42: {  	s18 =	simm.s32 $0x202;
	v19 =	vmul.f32 v26, v20;
	v20 =	vmov s21;
	v22 =	vadd.f32 v63, v15;
	[tilespmem:s12+$0xFFFFFFF0] =	vst v62  }
.LBB2_2:
0x43: {  	p0 =	sne.s32 s18, $0x27F;
	v16 =	vmul.f32 v16, v21;
	[tilespmem:s12+$0x0] =	vst v18  }
0x44: {  	v17 =	vmul.f32 v17, v22;
	[tilespmem:s12+$0x10] =	vst v19  }
0x45: {  	[tilespmem:s12+$0x20] =	vst v16  }
0x46: {  	[tilespmem:s12+$0x30] =	vst v17  }
0x47: {  	v20 =	vld.idx.msk [tilespmem:v20+s3+$0x0], $0xffff;
	_ =	sdelay $0x1  }
0x48: {  	s12 =	sadd.s32 $0x80, s12  }
0x49: {  	v17 =	vld [tilespmem:s12+$0xFFFFFFF0]  }
0x4a: {  	v16 =	vld [tilespmem:s12+$0xFFFFFFD0]  }
0x4b: {  	v18 =	vld [tilespmem:s12+$0xFFFFFFC0]  }
0x4c: {  	v21 =	vmul.f32 v20, v7;
	v22 =	vmul.f32 v20, v6;
	v19 =	vld [tilespmem:s12+$0xFFFFFFE0]  }
0x4d: {  	v24 =	vmul.f32 v20, v5;
	v25 =	vmul.f32 v20, v4;
	v23 =	vld [tilespmem:s12+$0x0]  }
0x4e: {  	v27 =	vmul.f32 v20, v3;
	v21 =	vadd.f32 v21, v13;
	v22 =	vadd.f32 v22, v12;
	v26 =	vld [tilespmem:s12+$0x10]  }
0x4f: {  	v28 =	vmul.f32 v20, v2;
	v24 =	vadd.f32 v24, v11;
	v25 =	vadd.f32 v25, v10  }
0x50: {  	v22 =	vmul.f32 v22, v16;
	v21 =	vmul.f32 v21, v18;
	v18 =	vadd.f32 v27, v9  }
.Ltmp0:
0x51: {  	v25 =	vmul.f32 v17, v25;
	v16 =	vld [tilespmem:s12+$0x20];
	v24 =	vmul.f32 v24, v19;
	v19 =	vadd.f32 v28, v8;
	(pc) =	sbr.rel @p0 .LBB2_2-.Ltmp0, $4  }
0x52: {  	v17 =	vld [tilespmem:s12+$0x30];
	v18 =	vmul.f32 v23, v18;
	v23 =	vmul.f32 v20, v1;
	[tilespmem:s12+$0xFFFFFFC0] =	vst v21  }
0x53: {  	v19 =	vmul.f32 v26, v19;
	v26 =	vmul.f32 v20, v0;
	[tilespmem:s12+$0xFFFFFFD0] =	vst v22  }
0x54: {  	v21 =	vadd.f32 v23, v14;
	[tilespmem:s12+$0xFFFFFFE0] =	vst v24  }
0x55: {  	v20 =	vmov s18;
	s18 =	sadd.s32 $0x1, s18;
	v22 =	vadd.f32 v26, v15;
	[tilespmem:s12+$0xFFFFFFF0] =	vst v25  }
0x56: {  	v16 =	vmul.f32 v16, v21;
	[tilespmem:s12+$0x0] =	vst v18  }
0x57: {  	[tilespmem:s12+$0x10] =	vst v19;
	v17 =	vmul.f32 v17, v22  }
0x58: {  	[tilespmem:s12+$0x20] =	vst v16  }
0x59: {  	[tilespmem:s12+$0x30] =	vst v17  }
0x5a: {  	v16 =	vld.idx.msk [tilespmem:v20+s3+$0x0], $0xffff;
	_ =	sdelay $0x2  }
0x5b: {  	s20 =	sadd.s32 $0x80, s12  }
0x5c: {  	v17 =	vld [tilespmem:s20+$0xFFFFFFC0]  }
0x5d: {  	v18 =	vld [tilespmem:s20+$0xFFFFFFD0];
	v19 =	vmul.f32 v16, v7  }
0x5e: {  	v20 =	vld [tilespmem:s20+$0xFFFFFFE0];
	v21 =	vmul.f32 v16, v6  }
0x5f: {  	v22 =	vld [tilespmem:s20+$0xFFFFFFF0];
	v23 =	vmul.f32 v16, v5;
	v19 =	vadd.f32 v19, v13  }
0x60: {  	v24 =	vld [tilespmem:s20+$0x0];
	v25 =	vmul.f32 v16, v4;
	v21 =	vadd.f32 v21, v12  }
0x61: {  	v26 =	vld [tilespmem:s20+$0x10];
	v27 =	vmul.f32 v16, v3;
	v23 =	vadd.f32 v23, v11;
	v17 =	vmul.f32 v19, v17  }
0x62: {  	v57 =	vmul.f32 v16, v2;
	v19 =	vadd.f32 v25, v10;
	v18 =	vmul.f32 v21, v18;
	v21 =	vld [tilespmem:s20+$0x20]  }
0x63: {  	v28 =	vmul.f32 v16, v1;
	v27 =	vadd.f32 v27, v9;
	v20 =	vmul.f32 v23, v20;
	v23 =	vld [tilespmem:s20+$0x30];
	[tilespmem:s20+$0xFFFFFFC0] =	vst v17  }
0x64: {  	v16 =	vmul.f32 v16, v0;
	v17 =	vmul.f32 v22, v19;
	v19 =	vadd.f32 v57, v8;
	[tilespmem:s20+$0xFFFFFFD0] =	vst v18  }
0x65: {  	v18 =	vmul.f32 v24, v27;
	v22 =	vadd.f32 v28, v14;
	[tilespmem:s20+$0xFFFFFFE0] =	vst v20  }
0x66: {  	v16 =	vadd.f32 v16, v15;
	v19 =	vmul.f32 v26, v19;
	[tilespmem:s20+$0xFFFFFFF0] =	vst v17  }
0x67: {  	[tilespmem:s20+$0x0] =	vst v18;
	v17 =	vmul.f32 v21, v22  }
0x68: {  	v16 =	vmul.f32 v23, v16;
	[tilespmem:s20+$0x10] =	vst v19  }
0x69: {  	s18 =	simm.s32 $0x280;
	[tilespmem:s20+$0x20] =	vst v17  }
0x6a: {  	s21 =	simm.s32 $0x0;
	[tilespmem:s20+$0x30] =	vst v16;
	v16 =	vmov s18  }
0x6b: {  	[hbm4b:s5+s21] =	stream.linear.scatter [tilespmem:s15], [sflag:$0x8], $0x4000, $0x38;
	[tilespmem:$0x10500] =	vst v63  }
0x6c: {  	_ =	swait.ge [sflag:s28], $0x4000  }
0x6d: {  	[sflag:s28] =	ssyncset.done $0x0  }
0x6e: {  	[sflag:s28] =	ssyncadd.s32 $0xFFFFC000  }
0x6f: {  	v18 =	vld.idx.msk [tilespmem:v16+s3+$0x0], $0xffff;
	_ =	sdelay $0x2  }
0x70: {  	s12 =	simm.s32 $0x0  }
0x71: {  	v16 =	vld [tilespmem:s12+$0x4500]  }
0x72: {  	v17 =	vld [tilespmem:s12+$0x4510];
	v20 =	vmul.f32 v18, v7  }
0x73: {  	v21 =	vld [tilespmem:s12+$0x4520];
	v22 =	vmul.f32 v18, v6  }
0x74: {  	v19 =	vld [tilespmem:s12+$0x4530];
	v23 =	vmul.f32 v18, v5;
	v20 =	vadd.f32 v20, v13  }
0x75: {  	v58 =	vld [tilespmem:s12+$0x4540];
	v59 =	vmul.f32 v18, v4;
	v22 =	vadd.f32 v22, v12  }
0x76: {  	v60 =	vld [tilespmem:s12+$0x4550];
	v61 =	vmul.f32 v18, v3;
	v23 =	vadd.f32 v23, v11;
	v20 =	vmul.f32 v20, v16  }
0x77: {  	v62 =	vmul.f32 v18, v2;
	v25 =	vadd.f32 v59, v10;
	v16 =	vld [tilespmem:s12+$0x4560];
	v22 =	vmul.f32 v22, v17  }
0x78: {  	v27 =	vadd.f32 v61, v9;
	v17 =	vld [tilespmem:s12+$0x4570];
	v21 =	vmul.f32 v23, v21;
	[tilespmem:s12+$0x4500] =	vst v20;
	v20 =	vmul.f32 v18, v1  }
0x79: {  	v63 =	vmul.f32 v18, v0;
	v23 =	vmul.f32 v19, v25;
	v19 =	vadd.f32 v62, v8;
	[tilespmem:s12+$0x4510] =	vst v22  }
0x7a: {  	s20 =	simm.s32 $0x281;
	v18 =	vmul.f32 v58, v27;
	[tilespmem:s12+$0x4520] =	vst v21;
	v21 =	vadd.f32 v20, v14  }
0x7b: {  	s18 =	simm.s32 $0x200;
	s21 =	simm.s32 $0x400;
	v19 =	vmul.f32 v60, v19;
	v22 =	vadd.f32 v63, v15;
	[tilespmem:s12+$0x4530] =	vst v23;
	v20 =	vmov s20  }
.LBB2_4:
0x7c: {  	p0 =	sne.s32 s21, $0xFE00;
	v16 =	vmul.f32 v16, v21;
	[tilespmem:s12+$0x4540] =	vst v18  }
0x7d: {  	v17 =	vmul.f32 v17, v22;
	[tilespmem:s12+$0x4550] =	vst v19  }
0x7e: {  	[tilespmem:s12+$0x4560] =	vst v16  }
0x7f: {  	[tilespmem:s12+$0x4570] =	vst v17  }
0x80: {  	v20 =	vld.idx.msk [tilespmem:v20+s3+$0x0], $0xffff;
	_ =	sdelay $0x1  }
0x81: {  	s12 =	sshra.s32 s18, $0x2;
	s18 =	smov.u32 s21  }
0x82: {  	v17 =	vld [tilespmem:s12+$0x4530]  }
0x83: {  	v16 =	vld [tilespmem:s12+$0x4510]  }
0x84: {  	v18 =	vld [tilespmem:s12+$0x4500]  }
0x85: {  	v21 =	vmul.f32 v20, v7;
	v22 =	vmul.f32 v20, v6;
	v19 =	vld [tilespmem:s12+$0x4520]  }
0x86: {  	v24 =	vmul.f32 v20, v5;
	v25 =	vmul.f32 v20, v4;
	v23 =	vld [tilespmem:s12+$0x4540]  }
0x87: {  	v27 =	vmul.f32 v20, v3;
	v21 =	vadd.f32 v21, v13;
	v22 =	vadd.f32 v22, v12;
	v26 =	vld [tilespmem:s12+$0x4550]  }
0x88: {  	v28 =	vmul.f32 v20, v2;
	v24 =	vadd.f32 v24, v11;
	v25 =	vadd.f32 v25, v10  }
0x89: {  	v22 =	vmul.f32 v22, v16;
	v21 =	vmul.f32 v21, v18;
	v18 =	vadd.f32 v27, v9  }
.Ltmp1:
0x8a: {  	v25 =	vmul.f32 v17, v25;
	v16 =	vld [tilespmem:s12+$0x4560];
	v24 =	vmul.f32 v24, v19;
	v19 =	vadd.f32 v28, v8;
	(pc) =	sbr.rel @p0 .LBB2_4-.Ltmp1, $4  }
0x8b: {  	v17 =	vld [tilespmem:s12+$0x4570];
	v18 =	vmul.f32 v23, v18;
	v23 =	vmul.f32 v20, v1;
	[tilespmem:s12+$0x4500] =	vst v21  }
0x8c: {  	v19 =	vmul.f32 v26, v19;
	v26 =	vmul.f32 v20, v0;
	[tilespmem:s12+$0x4510] =	vst v22  }
0x8d: {  	s20 =	sadd.s32 $0x1, s20;
	v21 =	vadd.f32 v23, v14;
	[tilespmem:s12+$0x4520] =	vst v24  }
0x8e: {  	s21 =	sadd.s32 $0x200, s21;
	v20 =	vmov s20;
	v22 =	vadd.f32 v26, v15;
	[tilespmem:s12+$0x4530] =	vst v25  }
0x8f: {  	v16 =	vmul.f32 v16, v21;
	[tilespmem:s12+$0x4540] =	vst v18  }
0x90: {  	[tilespmem:s12+$0x4550] =	vst v19;
	v17 =	vmul.f32 v17, v22  }
0x91: {  	[tilespmem:s12+$0x4560] =	vst v16  }
0x92: {  	[tilespmem:s12+$0x4570] =	vst v17  }
0x93: {  	v16 =	vld.idx.msk [tilespmem:v20+s3+$0x0], $0xffff;
	_ =	sdelay $0x2  }
0x94: {  	s18 =	sshra.s32 s18, $0x2  }
0x95: {  	v17 =	vld [tilespmem:s18+$0x4500]  }
0x96: {  	v18 =	vld [tilespmem:s18+$0x4510];
	v19 =	vmul.f32 v16, v7  }
0x97: {  	v20 =	vld [tilespmem:s18+$0x4520];
	v21 =	vmul.f32 v16, v6  }
0x98: {  	v22 =	vld [tilespmem:s18+$0x4530];
	v23 =	vmul.f32 v16, v5;
	v19 =	vadd.f32 v19, v13  }
0x99: {  	v24 =	vld [tilespmem:s18+$0x4540];
	v25 =	vmul.f32 v16, v4;
	v21 =	vadd.f32 v21, v12  }
0x9a: {  	v26 =	vld [tilespmem:s18+$0x4550];
	v27 =	vmul.f32 v16, v3;
	v23 =	vadd.f32 v23, v11;
	v17 =	vmul.f32 v19, v17  }
0x9b: {  	v57 =	vmul.f32 v16, v2;
	v19 =	vadd.f32 v25, v10;
	v18 =	vmul.f32 v21, v18;
	v21 =	vld [tilespmem:s18+$0x4560]  }
0x9c: {  	v28 =	vmul.f32 v16, v1;
	v27 =	vadd.f32 v27, v9;
	v20 =	vmul.f32 v23, v20;
	v23 =	vld [tilespmem:s18+$0x4570];
	[tilespmem:s18+$0x4500] =	vst v17  }
0x9d: {  	v16 =	vmul.f32 v16, v0;
	v17 =	vmul.f32 v22, v19;
	v19 =	vadd.f32 v57, v8;
	[tilespmem:s18+$0x4510] =	vst v18  }
0x9e: {  	v18 =	vmul.f32 v24, v27;
	v22 =	vadd.f32 v28, v14;
	[tilespmem:s18+$0x4520] =	vst v20  }
0x9f: {  	v16 =	vadd.f32 v16, v15;
	v19 =	vmul.f32 v26, v19;
	[tilespmem:s18+$0x4530] =	vst v17  }
0xa0: {  	[tilespmem:s18+$0x4540] =	vst v18;
	v17 =	vmul.f32 v21, v22  }
0xa1: {  	v16 =	vmul.f32 v23, v16;
	[tilespmem:s18+$0x4550] =	vst v19  }
0xa2: {  	s20 =	simm.s32 $0x300;
	[tilespmem:s18+$0x4560] =	vst v17  }
0xa3: {  	s21 =	simm.s32 $0x0;
	[tilespmem:s18+$0x4570] =	vst v16;
	v16 =	vmov s20  }
0xa4: {  	[hbm4b:s7+s21] =	stream.linear.scatter [tilespmem:s17], [sflag:$0x8], $0x4000, $0x38;
	[tilespmem:$0x10500] =	vst v63  }
0xa5: {  	_ =	swait.ge [sflag:s29], $0x4000  }
0xa6: {  	[sflag:s29] =	ssyncset.done $0x0  }
0xa7: {  	[sflag:s29] =	ssyncadd.s32 $0xFFFFC000  }
0xa8: {  	v18 =	vld.idx.msk [tilespmem:v16+s3+$0x0], $0xffff;
	_ =	sdelay $0x2  }
0xa9: {  	s12 =	simm.s32 $0x0  }
0xaa: {  	v16 =	vld [tilespmem:s12+$0x8500]  }
0xab: {  	v17 =	vld [tilespmem:s12+$0x8510];
	v20 =	vmul.f32 v18, v7  }
0xac: {  	v21 =	vld [tilespmem:s12+$0x8520];
	v22 =	vmul.f32 v18, v6  }
0xad: {  	v19 =	vld [tilespmem:s12+$0x8530];
	v23 =	vmul.f32 v18, v5;
	v20 =	vadd.f32 v20, v13  }
0xae: {  	v58 =	vld [tilespmem:s12+$0x8540];
	v59 =	vmul.f32 v18, v4;
	v22 =	vadd.f32 v22, v12  }
0xaf: {  	v60 =	vld [tilespmem:s12+$0x8550];
	v61 =	vmul.f32 v18, v3;
	v23 =	vadd.f32 v23, v11;
	v20 =	vmul.f32 v20, v16  }
0xb0: {  	v62 =	vmul.f32 v18, v2;
	v25 =	vadd.f32 v59, v10;
	v16 =	vld [tilespmem:s12+$0x8560];
	v22 =	vmul.f32 v22, v17  }
0xb1: {  	v27 =	vadd.f32 v61, v9;
	v17 =	vld [tilespmem:s12+$0x8570];
	v21 =	vmul.f32 v23, v21;
	[tilespmem:s12+$0x8500] =	vst v20;
	v20 =	vmul.f32 v18, v1  }
0xb2: {  	v63 =	vmul.f32 v18, v0;
	v23 =	vmul.f32 v19, v25;
	v19 =	vadd.f32 v62, v8;
	[tilespmem:s12+$0x8510] =	vst v22  }
0xb3: {  	s20 =	simm.s32 $0x301;
	v18 =	vmul.f32 v58, v27;
	[tilespmem:s12+$0x8520] =	vst v21;
	v21 =	vadd.f32 v20, v14  }
0xb4: {  	s18 =	simm.s32 $0x200;
	s21 =	simm.s32 $0x400;
	v19 =	vmul.f32 v60, v19;
	v22 =	vadd.f32 v63, v15;
	[tilespmem:s12+$0x8530] =	vst v23;
	v20 =	vmov s20  }
.LBB2_6:
0xb5: {  	p0 =	sne.s32 s21, $0xFE00;
	v16 =	vmul.f32 v16, v21;
	[tilespmem:s12+$0x8540] =	vst v18  }
0xb6: {  	v17 =	vmul.f32 v17, v22;
	[tilespmem:s12+$0x8550] =	vst v19  }
0xb7: {  	[tilespmem:s12+$0x8560] =	vst v16  }
0xb8: {  	[tilespmem:s12+$0x8570] =	vst v17  }
0xb9: {  	v20 =	vld.idx.msk [tilespmem:v20+s3+$0x0], $0xffff;
	_ =	sdelay $0x1  }
0xba: {  	s12 =	sshra.s32 s18, $0x2;
	s18 =	smov.u32 s21  }
0xbb: {  	v17 =	vld [tilespmem:s12+$0x8530]  }
0xbc: {  	v16 =	vld [tilespmem:s12+$0x8510]  }
0xbd: {  	v18 =	vld [tilespmem:s12+$0x8500]  }
0xbe: {  	v21 =	vmul.f32 v20, v7;
	v22 =	vmul.f32 v20, v6;
	v19 =	vld [tilespmem:s12+$0x8520]  }
0xbf: {  	v24 =	vmul.f32 v20, v5;
	v25 =	vmul.f32 v20, v4;
	v23 =	vld [tilespmem:s12+$0x8540]  }
0xc0: {  	v27 =	vmul.f32 v20, v3;
	v21 =	vadd.f32 v21, v13;
	v22 =	vadd.f32 v22, v12;
	v26 =	vld [tilespmem:s12+$0x8550]  }
0xc1: {  	v28 =	vmul.f32 v20, v2;
	v24 =	vadd.f32 v24, v11;
	v25 =	vadd.f32 v25, v10  }
0xc2: {  	v22 =	vmul.f32 v22, v16;
	v21 =	vmul.f32 v21, v18;
	v18 =	vadd.f32 v27, v9  }
.Ltmp2:
0xc3: {  	v25 =	vmul.f32 v17, v25;
	v16 =	vld [tilespmem:s12+$0x8560];
	v24 =	vmul.f32 v24, v19;
	v19 =	vadd.f32 v28, v8;
	(pc) =	sbr.rel @p0 .LBB2_6-.Ltmp2, $4  }
0xc4: {  	v17 =	vld [tilespmem:s12+$0x8570];
	v18 =	vmul.f32 v23, v18;
	v23 =	vmul.f32 v20, v1;
	[tilespmem:s12+$0x8500] =	vst v21  }
0xc5: {  	v19 =	vmul.f32 v26, v19;
	v26 =	vmul.f32 v20, v0;
	[tilespmem:s12+$0x8510] =	vst v22  }
0xc6: {  	s20 =	sadd.s32 $0x1, s20;
	v21 =	vadd.f32 v23, v14;
	[tilespmem:s12+$0x8520] =	vst v24  }
0xc7: {  	s21 =	sadd.s32 $0x200, s21;
	v20 =	vmov s20;
	v22 =	vadd.f32 v26, v15;
	[tilespmem:s12+$0x8530] =	vst v25  }
0xc8: {  	v16 =	vmul.f32 v16, v21;
	[tilespmem:s12+$0x8540] =	vst v18  }
0xc9: {  	[tilespmem:s12+$0x8550] =	vst v19;
	v17 =	vmul.f32 v17, v22  }
0xca: {  	[tilespmem:s12+$0x8560] =	vst v16  }
0xcb: {  	[tilespmem:s12+$0x8570] =	vst v17  }
0xcc: {  	v16 =	vld.idx.msk [tilespmem:v20+s3+$0x0], $0xffff;
	_ =	sdelay $0x2  }
0xcd: {  	s18 =	sshra.s32 s18, $0x2  }
0xce: {  	v17 =	vld [tilespmem:s18+$0x8500]  }
0xcf: {  	v18 =	vld [tilespmem:s18+$0x8510];
	v19 =	vmul.f32 v16, v7  }
0xd0: {  	v20 =	vld [tilespmem:s18+$0x8520];
	v21 =	vmul.f32 v16, v6  }
0xd1: {  	v22 =	vld [tilespmem:s18+$0x8530];
	v23 =	vmul.f32 v16, v5;
	v19 =	vadd.f32 v19, v13  }
0xd2: {  	v24 =	vld [tilespmem:s18+$0x8540];
	v25 =	vmul.f32 v16, v4;
	v21 =	vadd.f32 v21, v12  }
0xd3: {  	v26 =	vld [tilespmem:s18+$0x8550];
	v27 =	vmul.f32 v16, v3;
	v23 =	vadd.f32 v23, v11;
	v17 =	vmul.f32 v19, v17  }
0xd4: {  	v57 =	vmul.f32 v16, v2;
	v19 =	vadd.f32 v25, v10;
	v18 =	vmul.f32 v21, v18;
	v21 =	vld [tilespmem:s18+$0x8560]  }
0xd5: {  	v28 =	vmul.f32 v16, v1;
	v27 =	vadd.f32 v27, v9;
	v20 =	vmul.f32 v23, v20;
	v23 =	vld [tilespmem:s18+$0x8570];
	[tilespmem:s18+$0x8500] =	vst v17  }
0xd6: {  	v16 =	vmul.f32 v16, v0;
	v17 =	vmul.f32 v22, v19;
	v19 =	vadd.f32 v57, v8;
	[tilespmem:s18+$0x8510] =	vst v18  }
0xd7: {  	v18 =	vmul.f32 v24, v27;
	v22 =	vadd.f32 v28, v14;
	[tilespmem:s18+$0x8520] =	vst v20  }
0xd8: {  	v16 =	vadd.f32 v16, v15;
	v19 =	vmul.f32 v26, v19;
	[tilespmem:s18+$0x8530] =	vst v17  }
0xd9: {  	[tilespmem:s18+$0x8540] =	vst v18;
	v17 =	vmul.f32 v21, v22  }
0xda: {  	v16 =	vmul.f32 v23, v16;
	[tilespmem:s18+$0x8550] =	vst v19  }
0xdb: {  	s20 =	simm.s32 $0x380;
	[tilespmem:s18+$0x8560] =	vst v17  }
0xdc: {  	s21 =	simm.s32 $0x0;
	[tilespmem:s18+$0x8570] =	vst v16;
	v16 =	vmov s20  }
0xdd: {  	[hbm4b:s8+s21] =	stream.linear.scatter [tilespmem:s19], [sflag:$0x8], $0x4000, $0x38;
	[tilespmem:$0x10500] =	vst v63  }
0xde: {  	_ =	swait.ge [sflag:s30], $0x3000  }
0xdf: {  	[sflag:s30] =	ssyncset.done $0x0  }
0xe0: {  	[sflag:s30] =	ssyncadd.s32 $0xFFFFD000  }
0xe1: {  	v18 =	vld.idx.msk [tilespmem:v16+s3+$0x0], $0xffff;
	_ =	sdelay $0x2  }
0xe2: {  	s12 =	simm.s32 $0x0  }
0xe3: {  	v16 =	vld [tilespmem:s12+$0xC500]  }
0xe4: {  	v17 =	vld [tilespmem:s12+$0xC510];
	v20 =	vmul.f32 v18, v7  }
0xe5: {  	v21 =	vld [tilespmem:s12+$0xC520];
	v22 =	vmul.f32 v18, v6  }
0xe6: {  	v19 =	vld [tilespmem:s12+$0xC530];
	v23 =	vmul.f32 v18, v5;
	v20 =	vadd.f32 v20, v13  }
0xe7: {  	v58 =	vld [tilespmem:s12+$0xC540];
	v59 =	vmul.f32 v18, v4;
	v22 =	vadd.f32 v22, v12  }
0xe8: {  	v60 =	vld [tilespmem:s12+$0xC550];
	v61 =	vmul.f32 v18, v3;
	v23 =	vadd.f32 v23, v11;
	v20 =	vmul.f32 v20, v16  }
0xe9: {  	v62 =	vmul.f32 v18, v2;
	v25 =	vadd.f32 v59, v10;
	v16 =	vld [tilespmem:s12+$0xC560];
	v22 =	vmul.f32 v22, v17  }
0xea: {  	v27 =	vadd.f32 v61, v9;
	v17 =	vld [tilespmem:s12+$0xC570];
	v21 =	vmul.f32 v23, v21;
	[tilespmem:s12+$0xC500] =	vst v20;
	v20 =	vmul.f32 v18, v1  }
0xeb: {  	v63 =	vmul.f32 v18, v0;
	v23 =	vmul.f32 v19, v25;
	v19 =	vadd.f32 v62, v8;
	[tilespmem:s12+$0xC510] =	vst v22  }
0xec: {  	s20 =	simm.s32 $0x381;
	v18 =	vmul.f32 v58, v27;
	[tilespmem:s12+$0xC520] =	vst v21;
	v21 =	vadd.f32 v20, v14  }
0xed: {  	s18 =	simm.s32 $0x200;
	s21 =	simm.s32 $0x400;
	v19 =	vmul.f32 v60, v19;
	v22 =	vadd.f32 v63, v15;
	[tilespmem:s12+$0xC530] =	vst v23;
	v20 =	vmov s20  }
.LBB2_8:
0xee: {  	p0 =	sne.s32 s21, $0xBE00;
	v16 =	vmul.f32 v16, v21;
	[tilespmem:s12+$0xC540] =	vst v18  }
0xef: {  	v17 =	vmul.f32 v17, v22;
	[tilespmem:s12+$0xC550] =	vst v19  }
0xf0: {  	[tilespmem:s12+$0xC560] =	vst v16  }
0xf1: {  	[tilespmem:s12+$0xC570] =	vst v17  }
0xf2: {  	v20 =	vld.idx.msk [tilespmem:v20+s3+$0x0], $0xffff;
	_ =	sdelay $0x1  }
0xf3: {  	s12 =	sshra.s32 s18, $0x2;
	s18 =	smov.u32 s21  }
0xf4: {  	v17 =	vld [tilespmem:s12+$0xC530]  }
0xf5: {  	v16 =	vld [tilespmem:s12+$0xC510]  }
0xf6: {  	v18 =	vld [tilespmem:s12+$0xC500]  }
0xf7: {  	v21 =	vmul.f32 v20, v7;
	v22 =	vmul.f32 v20, v6;
	v19 =	vld [tilespmem:s12+$0xC520]  }
0xf8: {  	v24 =	vmul.f32 v20, v5;
	v25 =	vmul.f32 v20, v4;
	v23 =	vld [tilespmem:s12+$0xC540]  }
0xf9: {  	v27 =	vmul.f32 v20, v3;
	v21 =	vadd.f32 v21, v13;
	v22 =	vadd.f32 v22, v12;
	v26 =	vld [tilespmem:s12+$0xC550]  }
0xfa: {  	v28 =	vmul.f32 v20, v2;
	v24 =	vadd.f32 v24, v11;
	v25 =	vadd.f32 v25, v10  }
0xfb: {  	v22 =	vmul.f32 v22, v16;
	v21 =	vmul.f32 v21, v18;
	v18 =	vadd.f32 v27, v9  }
.Ltmp3:
0xfc: {  	v25 =	vmul.f32 v17, v25;
	v16 =	vld [tilespmem:s12+$0xC560];
	v24 =	vmul.f32 v24, v19;
	v19 =	vadd.f32 v28, v8;
	(pc) =	sbr.rel @p0 .LBB2_8-.Ltmp3, $4  }
0xfd: {  	v17 =	vld [tilespmem:s12+$0xC570];
	v18 =	vmul.f32 v23, v18;
	v23 =	vmul.f32 v20, v1;
	[tilespmem:s12+$0xC500] =	vst v21  }
0xfe: {  	v19 =	vmul.f32 v26, v19;
	v26 =	vmul.f32 v20, v0;
	[tilespmem:s12+$0xC510] =	vst v22  }
0xff: {  	s20 =	sadd.s32 $0x1, s20;
	v21 =	vadd.f32 v23, v14;
	[tilespmem:s12+$0xC520] =	vst v24  }
0x100: {  	s21 =	sadd.s32 $0x200, s21;
	v20 =	vmov s20;
	v22 =	vadd.f32 v26, v15;
	[tilespmem:s12+$0xC530] =	vst v25  }
0x101: {  	v16 =	vmul.f32 v16, v21;
	[tilespmem:s12+$0xC540] =	vst v18  }
0x102: {  	[tilespmem:s12+$0xC550] =	vst v19;
	v17 =	vmul.f32 v17, v22  }
0x103: {  	[tilespmem:s12+$0xC560] =	vst v16  }
0x104: {  	[tilespmem:s12+$0xC570] =	vst v17  }
0x105: {  	v16 =	vld.idx.msk [tilespmem:v20+s3+$0x0], $0xffff;
	_ =	sdelay $0x2  }
0x106: {  	s18 =	sshra.s32 s18, $0x2  }
0x107: {  	v17 =	vld [tilespmem:s18+$0xC500]  }
0x108: {  	v18 =	vld [tilespmem:s18+$0xC510];
	v19 =	vmul.f32 v16, v7  }
0x109: {  	v20 =	vld [tilespmem:s18+$0xC520];
	v21 =	vmul.f32 v16, v6  }
0x10a: {  	v22 =	vld [tilespmem:s18+$0xC530];
	v23 =	vmul.f32 v16, v5;
	v19 =	vadd.f32 v19, v13  }
0x10b: {  	v24 =	vld [tilespmem:s18+$0xC540];
	v25 =	vmul.f32 v16, v4;
	v21 =	vadd.f32 v21, v12  }
0x10c: {  	v26 =	vld [tilespmem:s18+$0xC550];
	v27 =	vmul.f32 v16, v3;
	v23 =	vadd.f32 v23, v11;
	v17 =	vmul.f32 v19, v17  }
0x10d: {  	v57 =	vmul.f32 v16, v2;
	v19 =	vadd.f32 v25, v10;
	v18 =	vmul.f32 v21, v18;
	v21 =	vld [tilespmem:s18+$0xC560]  }
0x10e: {  	v28 =	vmul.f32 v16, v1;
	v27 =	vadd.f32 v27, v9;
	v20 =	vmul.f32 v23, v20;
	v23 =	vld [tilespmem:s18+$0xC570];
	[tilespmem:s18+$0xC500] =	vst v17  }
0x10f: {  	v16 =	vmul.f32 v16, v0;
	v17 =	vmul.f32 v22, v19;
	v19 =	vadd.f32 v57, v8;
	[tilespmem:s18+$0xC510] =	vst v18  }
0x110: {  	v18 =	vmul.f32 v24, v27;
	v22 =	vadd.f32 v28, v14;
	[tilespmem:s18+$0xC520] =	vst v20  }
0x111: {  	v16 =	vadd.f32 v16, v15;
	v19 =	vmul.f32 v26, v19;
	[tilespmem:s18+$0xC530] =	vst v17  }
0x112: {  	[tilespmem:s18+$0xC540] =	vst v18;
	v17 =	vmul.f32 v21, v22  }
0x113: {  	v16 =	vmul.f32 v23, v16;
	[tilespmem:s18+$0xC550] =	vst v19  }
0x114: {  	s20 =	simm.s32 $0x3E0;
	[tilespmem:s18+$0xC560] =	vst v17  }
0x115: {  	s21 =	simm.s32 $0x0;
	[tilespmem:s18+$0xC570] =	vst v16;
	v16 =	vmov s20  }
0x116: {  	[hbm4b:s9+s21] =	stream.linear.scatter [tilespmem:s22], [sflag:$0x8], $0x3000, $0x38;
	[tilespmem:$0x10500] =	vst v63  }
0x117: {  	_ =	swait.ge [sflag:s31], $0x1000  }
0x118: {  	[sflag:s31] =	ssyncset.done $0x0  }
0x119: {  	[sflag:s31] =	ssyncadd.s32 $0xFFFFF000  }
0x11a: {  	v18 =	vld.idx.msk [tilespmem:v16+s3+$0x0], $0xffff;
	_ =	sdelay $0x2  }
0x11b: {  	s12 =	simm.s32 $0x0  }
0x11c: {  	v16 =	vld [tilespmem:s12+$0xF500]  }
0x11d: {  	v17 =	vld [tilespmem:s12+$0xF510];
	v20 =	vmul.f32 v18, v7  }
0x11e: {  	v21 =	vld [tilespmem:s12+$0xF520];
	v22 =	vmul.f32 v18, v6  }
0x11f: {  	v19 =	vld [tilespmem:s12+$0xF530];
	v23 =	vmul.f32 v18, v5;
	v20 =	vadd.f32 v20, v13  }
0x120: {  	v58 =	vld [tilespmem:s12+$0xF540];
	v59 =	vmul.f32 v18, v4;
	v22 =	vadd.f32 v22, v12  }
0x121: {  	v60 =	vld [tilespmem:s12+$0xF550];
	v61 =	vmul.f32 v18, v3;
	v23 =	vadd.f32 v23, v11;
	v20 =	vmul.f32 v20, v16  }
0x122: {  	v62 =	vmul.f32 v18, v2;
	v25 =	vadd.f32 v59, v10;
	v16 =	vld [tilespmem:s12+$0xF560];
	v22 =	vmul.f32 v22, v17  }
0x123: {  	v27 =	vadd.f32 v61, v9;
	v17 =	vld [tilespmem:s12+$0xF570];
	v21 =	vmul.f32 v23, v21;
	[tilespmem:s12+$0xF500] =	vst v20;
	v20 =	vmul.f32 v18, v1  }
0x124: {  	v63 =	vmul.f32 v18, v0;
	v23 =	vmul.f32 v19, v25;
	v19 =	vadd.f32 v62, v8;
	[tilespmem:s12+$0xF510] =	vst v22  }
0x125: {  	s20 =	simm.s32 $0x3E1;
	v18 =	vmul.f32 v58, v27;
	[tilespmem:s12+$0xF520] =	vst v21;
	v21 =	vadd.f32 v20, v14  }
0x126: {  	s18 =	simm.s32 $0x200;
	s21 =	simm.s32 $0x400;
	v19 =	vmul.f32 v60, v19;
	v22 =	vadd.f32 v63, v15;
	[tilespmem:s12+$0xF530] =	vst v23;
	v20 =	vmov s20  }
.LBB2_10:
0x127: {  	p0 =	sne.s32 s21, $0x3E00;
	v16 =	vmul.f32 v16, v21;
	[tilespmem:s12+$0xF540] =	vst v18  }
0x128: {  	v17 =	vmul.f32 v17, v22;
	[tilespmem:s12+$0xF550] =	vst v19  }
0x129: {  	[tilespmem:s12+$0xF560] =	vst v16  }
0x12a: {  	[tilespmem:s12+$0xF570] =	vst v17  }
0x12b: {  	v20 =	vld.idx.msk [tilespmem:v20+s3+$0x0], $0xffff;
	_ =	sdelay $0x1  }
0x12c: {  	s12 =	sshra.s32 s18, $0x2;
	s18 =	smov.u32 s21  }
0x12d: {  	v17 =	vld [tilespmem:s12+$0xF530]  }
0x12e: {  	v16 =	vld [tilespmem:s12+$0xF510]  }
0x12f: {  	v18 =	vld [tilespmem:s12+$0xF500]  }
0x130: {  	v21 =	vmul.f32 v20, v7;
	v22 =	vmul.f32 v20, v6;
	v19 =	vld [tilespmem:s12+$0xF520]  }
0x131: {  	v24 =	vmul.f32 v20, v5;
	v25 =	vmul.f32 v20, v4;
	v23 =	vld [tilespmem:s12+$0xF540]  }
0x132: {  	v27 =	vmul.f32 v20, v3;
	v21 =	vadd.f32 v21, v13;
	v22 =	vadd.f32 v22, v12;
	v26 =	vld [tilespmem:s12+$0xF550]  }
0x133: {  	v28 =	vmul.f32 v20, v2;
	v24 =	vadd.f32 v24, v11;
	v25 =	vadd.f32 v25, v10  }
0x134: {  	v22 =	vmul.f32 v22, v16;
	v21 =	vmul.f32 v21, v18;
	v18 =	vadd.f32 v27, v9  }
.Ltmp4:
0x135: {  	v25 =	vmul.f32 v17, v25;
	v16 =	vld [tilespmem:s12+$0xF560];
	v24 =	vmul.f32 v24, v19;
	v19 =	vadd.f32 v28, v8;
	(pc) =	sbr.rel @p0 .LBB2_10-.Ltmp4, $4  }
0x136: {  	v17 =	vld [tilespmem:s12+$0xF570];
	v18 =	vmul.f32 v23, v18;
	v23 =	vmul.f32 v20, v1;
	[tilespmem:s12+$0xF500] =	vst v21  }
0x137: {  	v19 =	vmul.f32 v26, v19;
	v26 =	vmul.f32 v20, v0;
	[tilespmem:s12+$0xF510] =	vst v22  }
0x138: {  	s20 =	sadd.s32 $0x1, s20;
	v21 =	vadd.f32 v23, v14;
	[tilespmem:s12+$0xF520] =	vst v24  }
0x139: {  	s21 =	sadd.s32 $0x200, s21;
	v20 =	vmov s20;
	v22 =	vadd.f32 v26, v15;
	[tilespmem:s12+$0xF530] =	vst v25  }
0x13a: {  	v16 =	vmul.f32 v16, v21;
	[tilespmem:s12+$0xF540] =	vst v18  }
0x13b: {  	[tilespmem:s12+$0xF550] =	vst v19;
	v17 =	vmul.f32 v17, v22  }
0x13c: {  	[tilespmem:s12+$0xF560] =	vst v16  }
0x13d: {  	[tilespmem:s12+$0xF570] =	vst v17  }
0x13e: {  	v16 =	vld.idx.msk [tilespmem:v20+s3+$0x0], $0xffff;
	_ =	sdelay $0x2  }
0x13f: {  	s21 =	sshra.s32 s18, $0x2  }
0x140: {  	v17 =	vld [tilespmem:s21+$0xF500]  }
0x141: {  	v18 =	vld [tilespmem:s21+$0xF510];
	v7 =	vmul.f32 v16, v7  }
0x142: {  	v19 =	vld [tilespmem:s21+$0xF520];
	v6 =	vmul.f32 v16, v6  }
0x143: {  	v59 =	vld [tilespmem:s21+$0xF530];
	v5 =	vmul.f32 v16, v5;
	v7 =	vadd.f32 v7, v13  }
0x144: {  	v60 =	vld [tilespmem:s21+$0xF540];
	v4 =	vmul.f32 v16, v4;
	v6 =	vadd.f32 v6, v12  }
0x145: {  	v61 =	vld [tilespmem:s21+$0xF550];
	v3 =	vmul.f32 v16, v3;
	v5 =	vadd.f32 v5, v11;
	v7 =	vmul.f32 v7, v17  }
0x146: {  	v62 =	vld [tilespmem:s21+$0xF560];
	v2 =	vmul.f32 v16, v2;
	v4 =	vadd.f32 v4, v10;
	v6 =	vmul.f32 v6, v18  }
0x147: {  	v63 =	vld [tilespmem:s21+$0xF570];
	v1 =	vmul.f32 v16, v1;
	v3 =	vadd.f32 v3, v9;
	v5 =	vmul.f32 v5, v19;
	[tilespmem:s21+$0xF500] =	vst v7  }
0x148: {  	v0 =	vmul.f32 v16, v0;
	v2 =	vadd.f32 v2, v8;
	v4 =	vmul.f32 v59, v4;
	[tilespmem:s21+$0xF510] =	vst v6  }
0x149: {  	v1 =	vadd.f32 v1, v14;
	v3 =	vmul.f32 v60, v3;
	[tilespmem:s21+$0xF520] =	vst v5  }
0x14a: {  	v0 =	vadd.f32 v0, v15;
	v2 =	vmul.f32 v61, v2;
	[tilespmem:s21+$0xF530] =	vst v4  }
0x14b: {  	v1 =	vmul.f32 v62, v1;
	[tilespmem:s21+$0xF540] =	vst v3  }
0x14c: {  	v0 =	vmul.f32 v63, v0;
	[tilespmem:s21+$0xF550] =	vst v2  }
0x14d: {  	[tilespmem:s21+$0xF560] =	vst v1  }
0x14e: {  	[tilespmem:s21+$0xF570] =	vst v0  }
0x14f: {  	[hbm4b:s10+s3] =	stream.linear.scatter [tilespmem:s25], [sflag:$0x8], $0x1000, $0x38;
	[tilespmem:$0x10500] =	vst v63  }
0x150: {  	_ =	swait.ge [sflag:s2], $0x4000  }
0x151: {  	[sflag:s2] =	ssyncset.done $0x0  }
0x152: {  	[sflag:s2] =	ssyncadd.s32 $0xFFFFC000  }
0x153: {  	_ =	swait.ge [sflag:s2], $0x4000  }
0x154: {  	[sflag:s2] =	ssyncset.done $0x0  }
0x155: {  	[sflag:s2] =	ssyncadd.s32 $0xFFFFC000  }
0x156: {  	_ =	swait.ge [sflag:s2], $0x4000  }
0x157: {  	[sflag:s2] =	ssyncset.done $0x0  }
0x158: {  	s0 =	sadd.s32 $0x1, s0;
	[sflag:s2] =	ssyncadd.s32 $0xFFFFC000  }
0x159: {  	p0 =	sne.s32 s0, s11;
	_ =	swait.ge [sflag:s2], $0x3000  }
.Ltmp5:
0x15a: {  	[sflag:s2] =	ssyncset.done $0x0;
	(pc) =	sbr.rel @p0 .LBB2_1-.Ltmp5, $4  }
0x15b: {  	[sflag:s2] =	ssyncadd.s32 $0xFFFFD000  }
0x15c: {  	_ =	swait.ge [sflag:s2], $0x1000  }
0x15d: {  	[sflag:s2] =	ssyncset.done $0x0  }
0x15e: {  	[sflag:s2] =	ssyncadd.s32 $0xFFFFF000  }
0x15f: {  	_ =	sfence.sel $0x180000  }
0x160: {  	[bflag:$0x0] =	sbarrier.arrive $0xFFFF  }
0x161: {  	_ =	strace $0x90000047  }
0x162: {  	s0 =	stileid.u32;
	[bflag:$0x2] =	sbarrier.arrive $0xFFFF  }
0x163: {  	p0 =	sne.s32 s0, $0x0;
	s0 =	rddreg [dreg:$0x3]  }
0x164: {  	s0 =	sadd.s32 @!p0 $0x100000, s0  }
0x165: {  	[sflag:s0] =	ssyncadd.tile.s32 @!p0 $0x1;
	_ =	shalt  }
.Lfunc_end2:
_tile_overlayer_lowered:
.L_overlay_start_2:
0x166: {  	(tag) =	ssettag $0x2  }
0x167: {  	s0 =	rddreg [dreg:$0x0];
	s2 =	stileid.u32  }
0x168: {  	s1 =	rddreg [dreg:$0x1];
	p0 =	sne.s32 s2, $0x0  }
0x169: {  	s3 =	rddreg [dreg:$0x2];
	[bflag:$0x3] =	sbarrier.arrive $0xFFFF;
	s2 =	simm.s32 @!p0 $0x1C09  }
0x16a: {  	[timem:s3], [sflag:s2] =	dma.local @!p0 [hbm:s0], s1  }
0x16b: {  	s0 =	simm.s32 @!p0 $0x9  }
0x16c: {  	_ =	swait.ge @!p0 [sflag:s0], s1  }
0x16d: {  	s1 =	ssub.s32 @!p0 $0x0, s1;
	[sflag:s0] =	ssyncset.done @!p0 $0x0  }
0x16e: {  	[sflag:s0] =	ssyncadd.s32 @!p0 s1  }
0x16f: {  	[bflag:$0x3] =	sbarrier.arrive $0xFFFF  }
0x170: {  	_ =	shalt  }

</sc_bundles>
